<compile_context>
chip_gen: v7x
topology: tpu7x:2x2x1
jax: 0.10.2.dev20260603
libtpu: 0.0.44.dev20260713+nightly
codegen_flags: <defaults>
</compile_context>

<pallas_src>
import jax
import jax.numpy as jnp
from jax import lax
from jax.experimental import pallas as pl
from jax.experimental.pallas import tpu as pltpu
from jax.experimental.pallas import tpu_sc as plsc

_B, _N, _E = 4, 12500, 800000
_H, _AE, _V = 64, 32, 10
_BN = _B * _N
_HALF = _BN // 2
_NS = 16
_L = 16
_CHUNK = 128
_NROW = 6272
_RPT = _NROW // 32
_EPAD = _NROW * _CHUNK
_ZR = 3136
_ACC = _NS * _ZR
_RB = 5000
_G = _BN // _RB


def _sc_body(hfb, sd, zrows, out, acc, sdbuf, rows, isem0, isem1, gsem0,
             gsem1):
    cid = lax.axis_index("c")
    sid = lax.axis_index("s")
    ch0 = cid * (_NROW // 2) + sid * _RPT
    isem = (isem0, isem1)
    gsem = (gsem0, gsem1)

    pltpu.sync_copy(zrows, acc.at[pl.ds(sid * _ZR, _ZR)])
    plsc.subcore_barrier()

    def _idx(ch, b):
        return pltpu.make_async_copy(sd.at[ch0 + ch], sdbuf.at[b], isem[b])

    def _gather(b):
        return pltpu.make_async_copy(hfb.at[sdbuf.at[b, 0]], rows.at[b],
                                     gsem[b])

    def _chunk(ch, b, more1, more2):
        _gather(b).wait()
        if more1:
            _idx(ch + 1, 1 - b).wait()
            _gather(1 - b).start()
        pltpu.sync_copy(rows.at[b], acc.at[sdbuf.at[b, 1]], add=True)
        if more2:
            _idx(ch + 2, b).start()

    _idx(0, 0).start()
    _idx(1, 1).start()
    _idx(0, 0).wait()
    _gather(0).start()

    def _pair(g, carry):
        _chunk(2 * g, 0, True, True)
        _chunk(2 * g + 1, 1, True, True)
        return carry

    lax.fori_loop(0, _RPT // 2 - 1, _pair, 0)
    _chunk(_RPT - 2, 0, True, False)
    _chunk(_RPT - 1, 1, False, False)

    plsc.subcore_barrier()
    lo = sid * _ZR

    @pl.when(sid < _NS - 1)
    def _():
        pltpu.sync_copy(acc.at[pl.ds(lo, _ZR)], out.at[cid, pl.ds(lo, _ZR)])

    @pl.when(sid == _NS - 1)
    def _():
        pltpu.sync_copy(acc.at[pl.ds(lo, _BN - 15 * _ZR)],
                        out.at[cid, pl.ds(lo, _BN - 15 * _ZR)])


_sc_round = pl.kernel(
    _sc_body,
    mesh=plsc.VectorSubcoreMesh(core_axis_name="c", subcore_axis_name="s"),
    out_type=jax.ShapeDtypeStruct((2, _BN, _H), jnp.bfloat16),
    scratch_types=[
        pltpu.VMEM_SHARED((_ACC, _H), jnp.bfloat16),
        pltpu.VMEM((2, 2, _CHUNK), jnp.int32),
        pltpu.VMEM((2, _CHUNK, _H), jnp.bfloat16),
    ] + [pltpu.SemaphoreType.DMA] * 4,
    compiler_params=pltpu.CompilerParams(use_tc_tiling_on_sc=False),
)


def _full(shape):
    return pl.BlockSpec(shape, lambda i: tuple(0 for _ in shape))


def _stage_in_body(at_ref, c_ref, m_ref, wc_ref, b_ref, out_ref, outb_ref):
    oh = (at_ref[...] ==
          lax.broadcasted_iota(jnp.int32, (_RB, 16), 1)).astype(jnp.float32)
    h = jnp.dot(oh, m_ref[...], preferred_element_type=jnp.float32)
    c = c_ref[...]
    for k in range(3):
        h = h + c[:, k:k + 1] * wc_ref[k:k + 1, :]
    h = jnp.maximum(h + b_ref[...], 0.0)
    out_ref[...] = h
    outb_ref[...] = h.astype(jnp.bfloat16)


_stage_in = pl.pallas_call(
    _stage_in_body,
    grid=(_G,),
    in_specs=[
        pl.BlockSpec((_RB, 1), lambda i: (i, 0)),
        pl.BlockSpec((_RB, 3), lambda i: (i, 0)),
        _full((16, _H)),
        _full((3, _H)),
        _full((1, _H)),
    ],
    out_specs=(pl.BlockSpec((_RB, _H), lambda i: (i, 0)),
               pl.BlockSpec((_RB, _H), lambda i: (i, 0))),
    out_shape=(jax.ShapeDtypeStruct((_BN, _H), jnp.float32),
               jax.ShapeDtypeStruct((_BN, _H), jnp.bfloat16)),
)


def _stage_mp_body(h_ref, a0_ref, a1_ref, wa_ref, wb_ref, b_ref, out_ref,
                   outb_ref):
    agg = a0_ref[0].astype(jnp.float32) + a1_ref[0].astype(jnp.float32)
    x = jnp.dot(h_ref[...], wa_ref[...], preferred_element_type=jnp.float32)
    x = x + jnp.dot(agg, wb_ref[...], preferred_element_type=jnp.float32)
    h = jnp.maximum(x + b_ref[...], 0.0)
    out_ref[...] = h
    outb_ref[...] = h.astype(jnp.bfloat16)


_stage_mp = pl.pallas_call(
    _stage_mp_body,
    grid=(_G,),
    in_specs=[
        pl.BlockSpec((_RB, _H), lambda i: (i, 0)),
        pl.BlockSpec((1, _RB, _H), lambda i: (0, i, 0)),
        pl.BlockSpec((1, _RB, _H), lambda i: (1, i, 0)),
        _full((_H, _H)),
        _full((_H, _H)),
        _full((1, _H)),
    ],
    out_specs=(pl.BlockSpec((_RB, _H), lambda i: (i, 0)),
               pl.BlockSpec((_RB, _H), lambda i: (i, 0))),
    out_shape=(jax.ShapeDtypeStruct((_BN, _H), jnp.float32),
               jax.ShapeDtypeStruct((_BN, _H), jnp.bfloat16)),
)


def _stage_out_body(h_ref, a0_ref, a1_ref, c_ref, wa_ref, wb_ref, bmp_ref,
                    wo_ref, bo_ref, wt1_ref, wt1c_ref, bt1_ref, wt2_ref,
                    bt2_ref, out_ref):
    agg = a0_ref[0].astype(jnp.float32) + a1_ref[0].astype(jnp.float32)
    h2 = jnp.maximum(
        jnp.dot(h_ref[...], wa_ref[...], preferred_element_type=jnp.float32)
        + jnp.dot(agg, wb_ref[...], preferred_element_type=jnp.float32)
        + bmp_ref[...], 0.0)
    nf = jnp.dot(h2, wo_ref[...], preferred_element_type=jnp.float32) + bo_ref[...]
    c = c_ref[...]
    par = (lax.broadcasted_iota(jnp.int32, (_RB, 1), 0) % 2).astype(jnp.float32)
    u = jnp.dot(nf, wt1_ref[...], preferred_element_type=jnp.float32) + bt1_ref[...]
    cond = c * par
    for k in range(3):
        u = u + cond[:, k:k + 1] * wt1c_ref[k:k + 1, :]
    u = jnp.maximum(u, 0.0)
    shifts = jnp.dot(u, wt2_ref[...], preferred_element_type=jnp.float32) + bt2_ref[...]
    out_ref[...] = c + shifts * (1.0 - par)


_stage_out = pl.pallas_call(
    _stage_out_body,
    grid=(_G,),
    in_specs=[
        pl.BlockSpec((_RB, _H), lambda i: (i, 0)),
        pl.BlockSpec((1, _RB, _H), lambda i: (0, i, 0)),
        pl.BlockSpec((1, _RB, _H), lambda i: (1, i, 0)),
        pl.BlockSpec((_RB, 3), lambda i: (i, 0)),
        _full((_H, _H)),
        _full((_H, _H)),
        _full((1, _H)),
        _full((_H, _H)),
        _full((1, _H)),
        _full((_H, _H)),
        _full((3, _H)),
        _full((1, _H)),
        _full((_H, 3)),
        _full((1, 3)),
    ],
    out_specs=pl.BlockSpec((_RB, 3), lambda i: (i, 0)),
    out_shape=jax.ShapeDtypeStruct((_BN, 3), jnp.float32),
)


def kernel(coordinates, atom_types, adj_list, edge_batch_idx, masked_elements,
           embed_table, W_in, b_in, W_mp0, b_mp0, W_mp1, b_mp1, W_out, b_out,
           W_s1, b_s1, W_s2, b_s2, W_t1, b_t1, W_t2, b_t2):
    coords = coordinates.reshape(_BN, 3)
    at = atom_types.reshape(_BN, 1).astype(jnp.int32)
    ebi = edge_batch_idx.astype(jnp.int32)
    src = ebi * _N + adj_list[:, 0].astype(jnp.int32)
    dst = ebi * _N + adj_list[:, 1].astype(jnp.int32)
    pad = _EPAD - _E
    srcp = jnp.concatenate([src, jnp.zeros((pad,), jnp.int32)])
    dstp = jnp.concatenate([dst, jnp.full((pad,), _BN, jnp.int32)])
    sd = jnp.stack([srcp.reshape(-1, _CHUNK), dstp.reshape(-1, _CHUNK)],
                   axis=1)
    zrows = jnp.zeros((_ZR, _H), jnp.bfloat16)
    m = jnp.pad(embed_table @ W_in[:_AE], ((0, 16 - _V), (0, 0)))

    hf0, hf0b = _stage_in(at, coords, m, W_in[_AE:], b_in[None])
    agg0 = _sc_round(hf0b, sd, zrows)
    hf1, hf1b = _stage_mp(hf0, agg0, agg0, W_mp0[:_H], W_mp0[_H:], b_mp0[None])
    agg1 = _sc_round(hf1b, sd, zrows)
    out = _stage_out(hf1, agg1, agg1, coords, W_mp1[:_H], W_mp1[_H:],
                     b_mp1[None], W_out, b_out[None], W_t1[:_H], W_t1[_H:],
                     b_t1[None], W_t2, b_t2[None])
    return out.reshape(_B, _N, 3), jnp.zeros((_B,), jnp.float32)

# --- scband reference (transcript-rebuilt; emitter-appended) ---
"""Pipeline reference for scband-message-passing-coupling-layer-7627861918011 (READ-ONLY COPY).

The authoritative reference and input builder live on the scoring server;
editing this copy changes nothing except your own understanding.
"""

import jax, jax.numpy as jnp
import numpy as np

B, N, E = 4, 12500, 800000
H, AE, V = 64, 32, 10
PHASE = 0


def _lin(k, fan_in, fan_out):
    s = 1.0 / np.sqrt(fan_in)
    return jax.random.uniform(k, (fan_in, fan_out), jnp.float32, -s, s)


def setup_inputs(seed: int = 0):
    key = jax.random.key(seed)
    ks = jax.random.split(key, 16)
    coordinates = jax.random.normal(ks[0], (B, N, 3), jnp.float32)
    atom_types = jax.random.randint(ks[1], (B, N), 0, V)
    adj_list = jax.random.randint(ks[2], (E, 2), 0, N)
    edge_batch_idx = jnp.sort(jax.random.randint(ks[3], (E,), 0, B))
    masked_elements = jnp.zeros((B, N), dtype=bool)
    return {
        'coordinates': coordinates,
        'atom_types': atom_types,
        'adj_list': adj_list,
        'edge_batch_idx': edge_batch_idx,
        'masked_elements': masked_elements,
        'embed_table': jax.random.normal(ks[4], (V, AE), jnp.float32),
        'W_in': _lin(ks[5], AE + 3, H), 'b_in': jnp.zeros((H,), jnp.float32),
        'W_mp0': _lin(ks[6], 2 * H, H), 'b_mp0': jnp.zeros((H,), jnp.float32),
        'W_mp1': _lin(ks[7], 2 * H, H), 'b_mp1': jnp.zeros((H,), jnp.float32),
        'W_out': _lin(ks[8], H, H), 'b_out': jnp.zeros((H,), jnp.float32),
        'W_s1': _lin(ks[9], H + 3, H), 'b_s1': jnp.zeros((H,), jnp.float32),
        'W_s2': jnp.zeros((H, 3), jnp.float32), 'b_s2': jnp.zeros((3,), jnp.float32),
        'W_t1': _lin(ks[10], H + 3, H), 'b_t1': jnp.zeros((H,), jnp.float32),
        'W_t2': _lin(ks[11], H, 3), 'b_t2': jnp.zeros((3,), jnp.float32),
    }


def reference(coordinates, atom_types, adj_list, edge_batch_idx, masked_elements,
              embed_table, W_in, b_in, W_mp0, b_mp0, W_mp1, b_mp1, W_out, b_out,
              W_s1, b_s1, W_s2, b_s2, W_t1, b_t1, W_t2, b_t2):
    Bn, Nn, _ = coordinates.shape
    # coupling masks
    coupling_mask = (jnp.arange(Nn)[None, :] % 2 == PHASE) & jnp.ones((Bn, Nn), dtype=bool)
    coupling_mask = coupling_mask & (~masked_elements)
    unchanged_mask = ~coupling_mask
    # --- message passing GNN ---
    h = embed_table[atom_types]                                  # [B,N,AE] gather
    h = jnp.concatenate([h, coordinates], axis=-1) @ W_in + b_in
    h = jax.nn.relu(h)
    valid = (~masked_elements)[..., None].astype(jnp.float32)
    h = h * valid
    hf = h.reshape(Bn * Nn, H)
    src = edge_batch_idx * Nn + adj_list[:, 0]
    dst = edge_batch_idx * Nn + adj_list[:, 1]
    for (W, b) in ((W_mp0, b_mp0), (W_mp1, b_mp1)):
        msgs = jnp.take(hf, src, axis=0)                          # gather over edges
        agg = jnp.zeros_like(hf).at[dst].add(msgs)                # scatter-add
        hf = jax.nn.relu(jnp.concatenate([hf, agg], axis=-1) @ W + b)
    node_features = (hf @ W_out + b_out).reshape(Bn, Nn, H)
    # --- affine coupling ---
    conditioning_coords = coordinates * unchanged_mask[..., None]
    combined = jnp.concatenate([node_features, conditioning_coords], axis=-1)
    raw_scales = jax.nn.relu(combined @ W_s1 + b_s1) @ W_s2 + b_s2
    shifts = jax.nn.relu(combined @ W_t1 + b_t1) @ W_t2 + b_t2
    log_scales = jnp.tanh(raw_scales) * 2.0
    mask_3d = coupling_mask[..., None]
    log_scales = log_scales * mask_3d
    shifts = shifts * mask_3d
    log_scales = log_scales * (~masked_elements)[..., None]
    log_det = log_scales.sum(axis=(1, 2))
    scales = jnp.exp(log_scales)
    output_coords = scales * coordinates + shifts
    output_coords = output_coords * mask_3d + coordinates * (~mask_3d)
    return (output_coords, log_det)

if __name__ == "__main__":
    import jax
    _d = setup_inputs()
    print(jax.jit(kernel)(*tuple(_d.values())))

</pallas_src>

<mosaic_0001>
#map = affine_map<(d0, d1) -> (0, 0)>
#map1 = affine_map<(d0, d1) -> (0, 0, 0)>
module attributes {stable_mosaic.version = 14 : i64} {
  func.func @_sc_body(%arg0: i32, %arg1: i32, %arg2: memref<50000x64xbf16, #tpu.memory_space<hbm>>, %arg3: memref<6272x2x128xi32, #tpu.memory_space<hbm>>, %arg4: memref<3136x64xbf16, #tpu.memory_space<hbm>>, %arg5: memref<2x50000x64xbf16, #tpu.memory_space<hbm>>, %arg6: memref<50176x64xbf16, #tpu.memory_space<vmem_shared>>, %arg7: memref<2x2x128xi32, #tpu.memory_space<vmem>>, %arg8: memref<2x128x64xbf16, #tpu.memory_space<vmem>>, %arg9: memref<!tpu.dma_semaphore, #tpu.memory_space<semaphore_mem>>, %arg10: memref<!tpu.dma_semaphore, #tpu.memory_space<semaphore_mem>>, %arg11: memref<!tpu.dma_semaphore, #tpu.memory_space<semaphore_mem>>, %arg12: memref<!tpu.dma_semaphore, #tpu.memory_space<semaphore_mem>>) attributes {dimension_semantics = [#tpu.dimension_semantics<core_parallel>, #tpu.dimension_semantics<subcore_parallel>], iteration_bounds = array<i64: 2, 16>, scalar_prefetch = 0 : i64, scratch_operands = 7 : i64, tpu.core_type = #tpu.core_type<sc_vector_subcore>, window_params = [{transform_indices = #map}, {transform_indices = #map1}, {transform_indices = #map}, {transform_indices = #map1}]} {
    %mul3A = arith.constant 3136 : i32
    %mul3A_0 = arith.muli %arg0, %mul3A : i32
    %mul3A_1 = arith.constant 196 : i32
    %mul3A_2 = arith.muli %arg1, %mul3A_1 : i32
    %add3A = arith.addi %mul3A_0, %mul3A_2 : i32
    %mul3A_3 = arith.constant 3136 : i32
    %mul3A_4 = arith.muli %arg1, %mul3A_3 : i32
    "tpu.region"() ({
      %run_scoped3A_150 = tpu.sem_alloc : memref<!tpu.dma_semaphore, #tpu.memory_space<semaphore_mem>>
      %dma_start3A_151 = arith.constant 0 : i32
      %dma_start3A_152 = tpu.memref_slice %arg6[%mul3A_4, %dma_start3A_151] : memref<50176x64xbf16, #tpu.memory_space<vmem_shared>> -> memref<3136x64xbf16, #tpu.memory_space<vmem_shared>>
      tpu.enqueue_dma source(%arg4 : memref<3136x64xbf16, #tpu.memory_space<hbm>>) target(%dma_start3A_152 : memref<3136x64xbf16, #tpu.memory_space<vmem_shared>>) target_semaphore(%run_scoped3A_150 : memref<!tpu.dma_semaphore, #tpu.memory_space<semaphore_mem>>)
      %dma_wait3A_153 = arith.constant 0 : i32
      %dma_wait3A_154 = tpu.memref_slice %arg6[%mul3A_4, %dma_wait3A_153] : memref<50176x64xbf16, #tpu.memory_space<vmem_shared>> -> memref<3136x64xbf16, #tpu.memory_space<vmem_shared>>
      tpu.wait_dma2 semaphore(%run_scoped3A_150 : memref<!tpu.dma_semaphore, #tpu.memory_space<semaphore_mem>>) src(%arg4 : memref<3136x64xbf16, #tpu.memory_space<hbm>>) dst(%dma_wait3A_154 : memref<3136x64xbf16, #tpu.memory_space<vmem_shared>>)
      tpu.yield
    }) : () -> ()
    %barrier3A = arith.constant 0 : index
    tpu.barrier barrier_id(%barrier3A)
    %add3A_5 = arith.constant 0 : i32
    %add3A_6 = arith.addi %add3A, %add3A_5 : i32
    %dma_start3A = arith.constant 0 : i32
    %dma_start3A_7 = arith.constant 0 : i32
    %dma_start3A_8 = arith.constant 0 : i32
    %dma_start3A_9 = tpu.memref_slice %arg7[%dma_start3A, %dma_start3A_7, %dma_start3A_8] : memref<2x2x128xi32, #tpu.memory_space<vmem>> -> memref<1x2x128xi32, #tpu.memory_space<vmem>>
    %dma_start3A_10 = tpu.memref_squeeze %dma_start3A_9 : memref<1x2x128xi32, #tpu.memory_space<vmem>> -> memref<2x128xi32, #tpu.memory_space<vmem>>
    %dma_start3A_11 = arith.constant 0 : i32
    %dma_start3A_12 = arith.constant 0 : i32
    %dma_start3A_13 = tpu.memref_slice %arg3[%add3A_6, %dma_start3A_11, %dma_start3A_12] : memref<6272x2x128xi32, #tpu.memory_space<hbm>> -> memref<1x2x128xi32, #tpu.memory_space<hbm>>
    %dma_start3A_14 = tpu.memref_squeeze %dma_start3A_13 : memref<1x2x128xi32, #tpu.memory_space<hbm>> -> memref<2x128xi32, #tpu.memory_space<hbm>>
    %dma_start3A_15 = arith.constant 0 : i32
    %dma_start3A_16 = arith.constant 0 : i32
    %dma_start3A_17 = tpu.memref_slice %arg7[%dma_start3A, %dma_start3A_15, %dma_start3A_16] : memref<2x2x128xi32, #tpu.memory_space<vmem>> -> memref<1x2x128xi32, #tpu.memory_space<vmem>>
    %dma_start3A_18 = tpu.memref_squeeze %dma_start3A_17 : memref<1x2x128xi32, #tpu.memory_space<vmem>> -> memref<2x128xi32, #tpu.memory_space<vmem>>
    %dma_start3A_19 = arith.constant 0 : i32
    %dma_start3A_20 = arith.constant 0 : i32
    %dma_start3A_21 = tpu.memref_slice %arg3[%add3A_6, %dma_start3A_19, %dma_start3A_20] : memref<6272x2x128xi32, #tpu.memory_space<hbm>> -> memref<1x2x128xi32, #tpu.memory_space<hbm>>
    %dma_start3A_22 = tpu.memref_squeeze %dma_start3A_21 : memref<1x2x128xi32, #tpu.memory_space<hbm>> -> memref<2x128xi32, #tpu.memory_space<hbm>>
    tpu.enqueue_dma source(%dma_start3A_22 : memref<2x128xi32, #tpu.memory_space<hbm>>) target(%dma_start3A_18 : memref<2x128xi32, #tpu.memory_space<vmem>>) target_semaphore(%arg9 : memref<!tpu.dma_semaphore, #tpu.memory_space<semaphore_mem>>)
    %add3A_23 = arith.constant 1 : i32
    %add3A_24 = arith.addi %add3A, %add3A_23 : i32
    %dma_start3A_25 = arith.constant 1 : i32
    %dma_start3A_26 = arith.constant 0 : i32
    %dma_start3A_27 = arith.constant 0 : i32
    %dma_start3A_28 = tpu.memref_slice %arg7[%dma_start3A_25, %dma_start3A_26, %dma_start3A_27] : memref<2x2x128xi32, #tpu.memory_space<vmem>> -> memref<1x2x128xi32, #tpu.memory_space<vmem>>
    %dma_start3A_29 = tpu.memref_squeeze %dma_start3A_28 : memref<1x2x128xi32, #tpu.memory_space<vmem>> -> memref<2x128xi32, #tpu.memory_space<vmem>>
    %dma_start3A_30 = arith.constant 0 : i32
    %dma_start3A_31 = arith.constant 0 : i32
    %dma_start3A_32 = tpu.memref_slice %arg3[%add3A_24, %dma_start3A_30, %dma_start3A_31] : memref<6272x2x128xi32, #tpu.memory_space<hbm>> -> memref<1x2x128xi32, #tpu.memory_space<hbm>>
    %dma_start3A_33 = tpu.memref_squeeze %dma_start3A_32 : memref<1x2x128xi32, #tpu.memory_space<hbm>> -> memref<2x128xi32, #tpu.memory_space<hbm>>
    %dma_start3A_34 = arith.constant 0 : i32
    %dma_start3A_35 = arith.constant 0 : i32
    %dma_start3A_36 = tpu.memref_slice %arg7[%dma_start3A_25, %dma_start3A_34, %dma_start3A_35] : memref<2x2x128xi32, #tpu.memory_space<vmem>> -> memref<1x2x128xi32, #tpu.memory_space<vmem>>
    %dma_start3A_37 = tpu.memref_squeeze %dma_start3A_36 : memref<1x2x128xi32, #tpu.memory_space<vmem>> -> memref<2x128xi32, #tpu.memory_space<vmem>>
    %dma_start3A_38 = arith.constant 0 : i32
    %dma_start3A_39 = arith.constant 0 : i32
    %dma_start3A_40 = tpu.memref_slice %arg3[%add3A_24, %dma_start3A_38, %dma_start3A_39] : memref<6272x2x128xi32, #tpu.memory_space<hbm>> -> memref<1x2x128xi32, #tpu.memory_space<hbm>>
    %dma_start3A_41 = tpu.memref_squeeze %dma_start3A_40 : memref<1x2x128xi32, #tpu.memory_space<hbm>> -> memref<2x128xi32, #tpu.memory_space<hbm>>
    tpu.enqueue_dma source(%dma_start3A_41 : memref<2x128xi32, #tpu.memory_space<hbm>>) target(%dma_start3A_37 : memref<2x128xi32, #tpu.memory_space<vmem>>) target_semaphore(%arg10 : memref<!tpu.dma_semaphore, #tpu.memory_space<semaphore_mem>>)
    %add3A_42 = arith.constant 0 : i32
    %add3A_43 = arith.addi %add3A, %add3A_42 : i32
    %dma_wait3A = arith.constant 0 : i32
    %dma_wait3A_44 = arith.constant 0 : i32
    %dma_wait3A_45 = arith.constant 0 : i32
    %dma_wait3A_46 = tpu.memref_slice %arg7[%dma_wait3A, %dma_wait3A_44, %dma_wait3A_45] : memref<2x2x128xi32, #tpu.memory_space<vmem>> -> memref<1x2x128xi32, #tpu.memory_space<vmem>>
    %dma_wait3A_47 = tpu.memref_squeeze %dma_wait3A_46 : memref<1x2x128xi32, #tpu.memory_space<vmem>> -> memref<2x128xi32, #tpu.memory_space<vmem>>
    %dma_wait3A_48 = arith.constant 0 : i32
    %dma_wait3A_49 = arith.constant 0 : i32
    %dma_wait3A_50 = tpu.memref_slice %arg3[%add3A_43, %dma_wait3A_48, %dma_wait3A_49] : memref<6272x2x128xi32, #tpu.memory_space<hbm>> -> memref<1x2x128xi32, #tpu.memory_space<hbm>>
    %dma_wait3A_51 = tpu.memref_squeeze %dma_wait3A_50 : memref<1x2x128xi32, #tpu.memory_space<hbm>> -> memref<2x128xi32, #tpu.memory_space<hbm>>
    %dma_wait3A_52 = arith.constant 0 : i32
    %dma_wait3A_53 = arith.constant 0 : i32
    %dma_wait3A_54 = tpu.memref_slice %arg7[%dma_wait3A, %dma_wait3A_52, %dma_wait3A_53] : memref<2x2x128xi32, #tpu.memory_space<vmem>> -> memref<1x2x128xi32, #tpu.memory_space<vmem>>
    %dma_wait3A_55 = tpu.memref_squeeze %dma_wait3A_54 : memref<1x2x128xi32, #tpu.memory_space<vmem>> -> memref<2x128xi32, #tpu.memory_space<vmem>>
    %dma_wait3A_56 = arith.constant 0 : i32
    %dma_wait3A_57 = arith.constant 0 : i32
    %dma_wait3A_58 = tpu.memref_slice %arg3[%add3A_43, %dma_wait3A_56, %dma_wait3A_57] : memref<6272x2x128xi32, #tpu.memory_space<hbm>> -> memref<1x2x128xi32, #tpu.memory_space<hbm>>
    %dma_wait3A_59 = tpu.memref_squeeze %dma_wait3A_58 : memref<1x2x128xi32, #tpu.memory_space<hbm>> -> memref<2x128xi32, #tpu.memory_space<hbm>>
    tpu.wait_dma2 semaphore(%arg9 : memref<!tpu.dma_semaphore, #tpu.memory_space<semaphore_mem>>) src(%dma_wait3A_59 : memref<2x128xi32, #tpu.memory_space<hbm>>) dst(%dma_wait3A_55 : memref<2x128xi32, #tpu.memory_space<vmem>>)
    %dma_start3A_60 = arith.constant 0 : i32
    %dma_start3A_61 = arith.constant 0 : i32
    %dma_start3A_62 = arith.constant 0 : i32
    %dma_start3A_63 = arith.constant 0 : i32
    %dma_start3A_64 = arith.constant 0 : i32
    %dma_start3A_65 = tpu.memref_slice %arg8[%dma_start3A_62, %dma_start3A_63, %dma_start3A_64] : memref<2x128x64xbf16, #tpu.memory_space<vmem>> -> memref<1x128x64xbf16, #tpu.memory_space<vmem>>
    %dma_start3A_66 = tpu.memref_squeeze %dma_start3A_65 : memref<1x128x64xbf16, #tpu.memory_space<vmem>> -> memref<128x64xbf16, #tpu.memory_space<vmem>>
    %dma_start3A_67 = arith.constant 0 : i32
    %dma_start3A_68 = tpu.memref_slice %arg7[%dma_start3A_60, %dma_start3A_61, %dma_start3A_67] : memref<2x2x128xi32, #tpu.memory_space<vmem>> -> memref<1x1x128xi32, #tpu.memory_space<vmem>>
    %dma_start3A_69 = tpu.memref_squeeze %dma_start3A_68 : memref<1x1x128xi32, #tpu.memory_space<vmem>> -> memref<128xi32, #tpu.memory_space<vmem>>
    %dma_start3A_70 = arith.constant 0 : i32
    %dma_start3A_71 = arith.constant 0 : i32
    %dma_start3A_72 = tpu.memref_slice %arg2[%dma_start3A_70, %dma_start3A_71] : memref<50000x64xbf16, #tpu.memory_space<hbm>> -> memref<50000x64xbf16, #tpu.memory_space<hbm>>
    tpu.enqueue_indirect_dma source(%dma_start3A_72 : memref<50000x64xbf16, #tpu.memory_space<hbm>>) target(%dma_start3A_66 : memref<128x64xbf16, #tpu.memory_space<vmem>>) offsets(%dma_start3A_69 : memref<128xi32, #tpu.memory_space<vmem>>) semaphore(%arg11 : memref<!tpu.dma_semaphore, #tpu.memory_space<semaphore_mem>>)
    %scan3A = arith.constant 0 : i32
    %scan3A_73 = arith.constant 0 : i32
    %scan3A_74 = arith.constant 97 : i32
    %scan3A_75 = arith.addi %scan3A_73, %scan3A_74 : i32
    %scan3A_76 = arith.constant 1 : i32
    scf.for %scan3A_150 = %scan3A_73 to %scan3A_75 step %scan3A_76  : i32 {
      %mul3A_151 = arith.constant 2 : i32
      %mul3A_152 = arith.muli %mul3A_151, %scan3A_150 : i32
      %dma_wait3A_153 = arith.constant 0 : i32
      %dma_wait3A_154 = arith.constant 0 : i32
      %dma_wait3A_155 = arith.constant 0 : i32
      %dma_wait3A_156 = arith.constant 0 : i32
      %dma_wait3A_157 = arith.constant 0 : i32
      %dma_wait3A_158 = tpu.memref_slice %arg8[%dma_wait3A_155, %dma_wait3A_156, %dma_wait3A_157] : memref<2x128x64xbf16, #tpu.memory_space<vmem>> -> memref<1x128x64xbf16, #tpu.memory_space<vmem>>
      %dma_wait3A_159 = tpu.memref_squeeze %dma_wait3A_158 : memref<1x128x64xbf16, #tpu.memory_space<vmem>> -> memref<128x64xbf16, #tpu.memory_space<vmem>>
      %dma_wait3A_160 = arith.constant 0 : i32
      %dma_wait3A_161 = tpu.memref_slice %arg7[%dma_wait3A_153, %dma_wait3A_154, %dma_wait3A_160] : memref<2x2x128xi32, #tpu.memory_space<vmem>> -> memref<1x1x128xi32, #tpu.memory_space<vmem>>
      %dma_wait3A_162 = tpu.memref_squeeze %dma_wait3A_161 : memref<1x1x128xi32, #tpu.memory_space<vmem>> -> memref<128xi32, #tpu.memory_space<vmem>>
      %dma_wait3A_163 = arith.constant 0 : i32
      %dma_wait3A_164 = arith.constant 0 : i32
      %dma_wait3A_165 = tpu.memref_slice %arg2[%dma_wait3A_163, %dma_wait3A_164] : memref<50000x64xbf16, #tpu.memory_space<hbm>> -> memref<50000x64xbf16, #tpu.memory_space<hbm>>
      tpu.wait_indirect_dma semaphore(%arg11 : memref<!tpu.dma_semaphore, #tpu.memory_space<semaphore_mem>>) src(%dma_wait3A_165 : memref<50000x64xbf16, #tpu.memory_space<hbm>>) dst(%dma_wait3A_159 : memref<128x64xbf16, #tpu.memory_space<vmem>>)
      %add3A_166 = arith.constant 1 : i32
      %add3A_167 = arith.addi %mul3A_152, %add3A_166 : i32
      %add3A_168 = arith.addi %add3A, %add3A_167 : i32
      %dma_wait3A_169 = arith.constant 1 : i32
      %dma_wait3A_170 = arith.constant 0 : i32
      %dma_wait3A_171 = arith.constant 0 : i32
      %dma_wait3A_172 = tpu.memref_slice %arg7[%dma_wait3A_169, %dma_wait3A_170, %dma_wait3A_171] : memref<2x2x128xi32, #tpu.memory_space<vmem>> -> memref<1x2x128xi32, #tpu.memory_space<vmem>>
      %dma_wait3A_173 = tpu.memref_squeeze %dma_wait3A_172 : memref<1x2x128xi32, #tpu.memory_space<vmem>> -> memref<2x128xi32, #tpu.memory_space<vmem>>
      %dma_wait3A_174 = arith.constant 0 : i32
      %dma_wait3A_175 = arith.constant 0 : i32
      %dma_wait3A_176 = tpu.memref_slice %arg3[%add3A_168, %dma_wait3A_174, %dma_wait3A_175] : memref<6272x2x128xi32, #tpu.memory_space<hbm>> -> memref<1x2x128xi32, #tpu.memory_space<hbm>>
      %dma_wait3A_177 = tpu.memref_squeeze %dma_wait3A_176 : memref<1x2x128xi32, #tpu.memory_space<hbm>> -> memref<2x128xi32, #tpu.memory_space<hbm>>
      %dma_wait3A_178 = arith.constant 0 : i32
      %dma_wait3A_179 = arith.constant 0 : i32
      %dma_wait3A_180 = tpu.memref_slice %arg7[%dma_wait3A_169, %dma_wait3A_178, %dma_wait3A_179] : memref<2x2x128xi32, #tpu.memory_space<vmem>> -> memref<1x2x128xi32, #tpu.memory_space<vmem>>
      %dma_wait3A_181 = tpu.memref_squeeze %dma_wait3A_180 : memref<1x2x128xi32, #tpu.memory_space<vmem>> -> memref<2x128xi32, #tpu.memory_space<vmem>>
      %dma_wait3A_182 = arith.constant 0 : i32
      %dma_wait3A_183 = arith.constant 0 : i32
      %dma_wait3A_184 = tpu.memref_slice %arg3[%add3A_168, %dma_wait3A_182, %dma_wait3A_183] : memref<6272x2x128xi32, #tpu.memory_space<hbm>> -> memref<1x2x128xi32, #tpu.memory_space<hbm>>
      %dma_wait3A_185 = tpu.memref_squeeze %dma_wait3A_184 : memref<1x2x128xi32, #tpu.memory_space<hbm>> -> memref<2x128xi32, #tpu.memory_space<hbm>>
      tpu.wait_dma2 semaphore(%arg10 : memref<!tpu.dma_semaphore, #tpu.memory_space<semaphore_mem>>) src(%dma_wait3A_185 : memref<2x128xi32, #tpu.memory_space<hbm>>) dst(%dma_wait3A_181 : memref<2x128xi32, #tpu.memory_space<vmem>>)
      %dma_start3A_186 = arith.constant 1 : i32
      %dma_start3A_187 = arith.constant 0 : i32
      %dma_start3A_188 = arith.constant 1 : i32
      %dma_start3A_189 = arith.constant 0 : i32
      %dma_start3A_190 = arith.constant 0 : i32
      %dma_start3A_191 = tpu.memref_slice %arg8[%dma_start3A_188, %dma_start3A_189, %dma_start3A_190] : memref<2x128x64xbf16, #tpu.memory_space<vmem>> -> memref<1x128x64xbf16, #tpu.memory_space<vmem>>
      %dma_start3A_192 = tpu.memref_squeeze %dma_start3A_191 : memref<1x128x64xbf16, #tpu.memory_space<vmem>> -> memref<128x64xbf16, #tpu.memory_space<vmem>>
      %dma_start3A_193 = arith.constant 0 : i32
      %dma_start3A_194 = tpu.memref_slice %arg7[%dma_start3A_186, %dma_start3A_187, %dma_start3A_193] : memref<2x2x128xi32, #tpu.memory_space<vmem>> -> memref<1x1x128xi32, #tpu.memory_space<vmem>>
      %dma_start3A_195 = tpu.memref_squeeze %dma_start3A_194 : memref<1x1x128xi32, #tpu.memory_space<vmem>> -> memref<128xi32, #tpu.memory_space<vmem>>
      %dma_start3A_196 = arith.constant 0 : i32
      %dma_start3A_197 = arith.constant 0 : i32
      %dma_start3A_198 = tpu.memref_slice %arg2[%dma_start3A_196, %dma_start3A_197] : memref<50000x64xbf16, #tpu.memory_space<hbm>> -> memref<50000x64xbf16, #tpu.memory_space<hbm>>
      tpu.enqueue_indirect_dma source(%dma_start3A_198 : memref<50000x64xbf16, #tpu.memory_space<hbm>>) target(%dma_start3A_192 : memref<128x64xbf16, #tpu.memory_space<vmem>>) offsets(%dma_start3A_195 : memref<128xi32, #tpu.memory_space<vmem>>) semaphore(%arg12 : memref<!tpu.dma_semaphore, #tpu.memory_space<semaphore_mem>>)
      %run_scoped3A_199 = arith.constant 0 : i32
      %run_scoped3A_200 = arith.constant 0 : i32
      %run_scoped3A_201 = arith.constant 1 : i32
      "tpu.region"() ({
        %run_scoped3A_295 = tpu.sem_alloc : memref<!tpu.dma_semaphore, #tpu.memory_space<semaphore_mem>>
        %dma_start3A_296 = arith.constant 0 : i32
        %dma_start3A_297 = arith.constant 0 : i32
        %dma_start3A_298 = tpu.memref_slice %arg8[%run_scoped3A_199, %dma_start3A_296, %dma_start3A_297] : memref<2x128x64xbf16, #tpu.memory_space<vmem>> -> memref<1x128x64xbf16, #tpu.memory_space<vmem>>
        %dma_start3A_299 = tpu.memref_squeeze %dma_start3A_298 : memref<1x128x64xbf16, #tpu.memory_space<vmem>> -> memref<128x64xbf16, #tpu.memory_space<vmem>>
        %dma_start3A_300 = arith.constant 0 : i32
        %dma_start3A_301 = tpu.memref_slice %arg7[%run_scoped3A_200, %run_scoped3A_201, %dma_start3A_300] : memref<2x2x128xi32, #tpu.memory_space<vmem>> -> memref<1x1x128xi32, #tpu.memory_space<vmem>>
        %dma_start3A_302 = tpu.memref_squeeze %dma_start3A_301 : memref<1x1x128xi32, #tpu.memory_space<vmem>> -> memref<128xi32, #tpu.memory_space<vmem>>
        %dma_start3A_303 = arith.constant 0 : i32
        %dma_start3A_304 = arith.constant 0 : i32
        %dma_start3A_305 = tpu.memref_slice %arg6[%dma_start3A_303, %dma_start3A_304] : memref<50176x64xbf16, #tpu.memory_space<vmem_shared>> -> memref<50176x64xbf16, #tpu.memory_space<vmem_shared>>
        tpu.enqueue_indirect_dma source(%dma_start3A_299 : memref<128x64xbf16, #tpu.memory_space<vmem>>) target(%dma_start3A_305 : memref<50176x64xbf16, #tpu.memory_space<vmem_shared>>) offsets(%dma_start3A_302 : memref<128xi32, #tpu.memory_space<vmem>>) semaphore(%run_scoped3A_295 : memref<!tpu.dma_semaphore, #tpu.memory_space<semaphore_mem>>) {add = true}
        %dma_wait3A_306 = arith.constant 0 : i32
        %dma_wait3A_307 = arith.constant 0 : i32
        %dma_wait3A_308 = tpu.memref_slice %arg8[%run_scoped3A_199, %dma_wait3A_306, %dma_wait3A_307] : memref<2x128x64xbf16, #tpu.memory_space<vmem>> -> memref<1x128x64xbf16, #tpu.memory_space<vmem>>
        %dma_wait3A_309 = tpu.memref_squeeze %dma_wait3A_308 : memref<1x128x64xbf16, #tpu.memory_space<vmem>> -> memref<128x64xbf16, #tpu.memory_space<vmem>>
        %dma_wait3A_310 = arith.constant 0 : i32
        %dma_wait3A_311 = tpu.memref_slice %arg7[%run_scoped3A_200, %run_scoped3A_201, %dma_wait3A_310] : memref<2x2x128xi32, #tpu.memory_space<vmem>> -> memref<1x1x128xi32, #tpu.memory_space<vmem>>
        %dma_wait3A_312 = tpu.memref_squeeze %dma_wait3A_311 : memref<1x1x128xi32, #tpu.memory_space<vmem>> -> memref<128xi32, #tpu.memory_space<vmem>>
        %dma_wait3A_313 = arith.constant 0 : i32
        %dma_wait3A_314 = arith.constant 0 : i32
        %dma_wait3A_315 = tpu.memref_slice %arg6[%dma_wait3A_313, %dma_wait3A_314] : memref<50176x64xbf16, #tpu.memory_space<vmem_shared>> -> memref<50176x64xbf16, #tpu.memory_space<vmem_shared>>
        tpu.wait_indirect_dma semaphore(%run_scoped3A_295 : memref<!tpu.dma_semaphore, #tpu.memory_space<semaphore_mem>>) src(%dma_wait3A_309 : memref<128x64xbf16, #tpu.memory_space<vmem>>) dst(%dma_wait3A_315 : memref<50176x64xbf16, #tpu.memory_space<vmem_shared>>)
        tpu.yield
      }) : () -> ()
      %add3A_202 = arith.constant 2 : i32
      %add3A_203 = arith.addi %mul3A_152, %add3A_202 : i32
      %add3A_204 = arith.addi %add3A, %add3A_203 : i32
      %dma_start3A_205 = arith.constant 0 : i32
      %dma_start3A_206 = arith.constant 0 : i32
      %dma_start3A_207 = arith.constant 0 : i32
      %dma_start3A_208 = tpu.memref_slice %arg7[%dma_start3A_205, %dma_start3A_206, %dma_start3A_207] : memref<2x2x128xi32, #tpu.memory_space<vmem>> -> memref<1x2x128xi32, #tpu.memory_space<vmem>>
      %dma_start3A_209 = tpu.memref_squeeze %dma_start3A_208 : memref<1x2x128xi32, #tpu.memory_space<vmem>> -> memref<2x128xi32, #tpu.memory_space<vmem>>
      %dma_start3A_210 = arith.constant 0 : i32
      %dma_start3A_211 = arith.constant 0 : i32
      %dma_start3A_212 = tpu.memref_slice %arg3[%add3A_204, %dma_start3A_210, %dma_start3A_211] : memref<6272x2x128xi32, #tpu.memory_space<hbm>> -> memref<1x2x128xi32, #tpu.memory_space<hbm>>
      %dma_start3A_213 = tpu.memref_squeeze %dma_start3A_212 : memref<1x2x128xi32, #tpu.memory_space<hbm>> -> memref<2x128xi32, #tpu.memory_space<hbm>>
      %dma_start3A_214 = arith.constant 0 : i32
      %dma_start3A_215 = arith.constant 0 : i32
      %dma_start3A_216 = tpu.memref_slice %arg7[%dma_start3A_205, %dma_start3A_214, %dma_start3A_215] : memref<2x2x128xi32, #tpu.memory_space<vmem>> -> memref<1x2x128xi32, #tpu.memory_space<vmem>>
      %dma_start3A_217 = tpu.memref_squeeze %dma_start3A_216 : memref<1x2x128xi32, #tpu.memory_space<vmem>> -> memref<2x128xi32, #tpu.memory_space<vmem>>
      %dma_start3A_218 = arith.constant 0 : i32
      %dma_start3A_219 = arith.constant 0 : i32
      %dma_start3A_220 = tpu.memref_slice %arg3[%add3A_204, %dma_start3A_218, %dma_start3A_219] : memref<6272x2x128xi32, #tpu.memory_space<hbm>> -> memref<1x2x128xi32, #tpu.memory_space<hbm>>
      %dma_start3A_221 = tpu.memref_squeeze %dma_start3A_220 : memref<1x2x128xi32, #tpu.memory_space<hbm>> -> memref<2x128xi32, #tpu.memory_space<hbm>>
      tpu.enqueue_dma source(%dma_start3A_221 : memref<2x128xi32, #tpu.memory_space<hbm>>) target(%dma_start3A_217 : memref<2x128xi32, #tpu.memory_space<vmem>>) target_semaphore(%arg9 : memref<!tpu.dma_semaphore, #tpu.memory_space<semaphore_mem>>)
      %mul3A_222 = arith.constant 2 : i32
      %mul3A_223 = arith.muli %mul3A_222, %scan3A_150 : i32
      %add3A_224 = arith.constant 1 : i32
      %add3A_225 = arith.addi %mul3A_223, %add3A_224 : i32
      %dma_wait3A_226 = arith.constant 1 : i32
      %dma_wait3A_227 = arith.constant 0 : i32
      %dma_wait3A_228 = arith.constant 1 : i32
      %dma_wait3A_229 = arith.constant 0 : i32
      %dma_wait3A_230 = arith.constant 0 : i32
      %dma_wait3A_231 = tpu.memref_slice %arg8[%dma_wait3A_228, %dma_wait3A_229, %dma_wait3A_230] : memref<2x128x64xbf16, #tpu.memory_space<vmem>> -> memref<1x128x64xbf16, #tpu.memory_space<vmem>>
      %dma_wait3A_232 = tpu.memref_squeeze %dma_wait3A_231 : memref<1x128x64xbf16, #tpu.memory_space<vmem>> -> memref<128x64xbf16, #tpu.memory_space<vmem>>
      %dma_wait3A_233 = arith.constant 0 : i32
      %dma_wait3A_234 = tpu.memref_slice %arg7[%dma_wait3A_226, %dma_wait3A_227, %dma_wait3A_233] : memref<2x2x128xi32, #tpu.memory_space<vmem>> -> memref<1x1x128xi32, #tpu.memory_space<vmem>>
      %dma_wait3A_235 = tpu.memref_squeeze %dma_wait3A_234 : memref<1x1x128xi32, #tpu.memory_space<vmem>> -> memref<128xi32, #tpu.memory_space<vmem>>
      %dma_wait3A_236 = arith.constant 0 : i32
      %dma_wait3A_237 = arith.constant 0 : i32
      %dma_wait3A_238 = tpu.memref_slice %arg2[%dma_wait3A_236, %dma_wait3A_237] : memref<50000x64xbf16, #tpu.memory_space<hbm>> -> memref<50000x64xbf16, #tpu.memory_space<hbm>>
      tpu.wait_indirect_dma semaphore(%arg12 : memref<!tpu.dma_semaphore, #tpu.memory_space<semaphore_mem>>) src(%dma_wait3A_238 : memref<50000x64xbf16, #tpu.memory_space<hbm>>) dst(%dma_wait3A_232 : memref<128x64xbf16, #tpu.memory_space<vmem>>)
      %add3A_239 = arith.constant 1 : i32
      %add3A_240 = arith.addi %add3A_225, %add3A_239 : i32
      %add3A_241 = arith.addi %add3A, %add3A_240 : i32
      %dma_wait3A_242 = arith.constant 0 : i32
      %dma_wait3A_243 = arith.constant 0 : i32
      %dma_wait3A_244 = arith.constant 0 : i32
      %dma_wait3A_245 = tpu.memref_slice %arg7[%dma_wait3A_242, %dma_wait3A_243, %dma_wait3A_244] : memref<2x2x128xi32, #tpu.memory_space<vmem>> -> memref<1x2x128xi32, #tpu.memory_space<vmem>>
      %dma_wait3A_246 = tpu.memref_squeeze %dma_wait3A_245 : memref<1x2x128xi32, #tpu.memory_space<vmem>> -> memref<2x128xi32, #tpu.memory_space<vmem>>
      %dma_wait3A_247 = arith.constant 0 : i32
      %dma_wait3A_248 = arith.constant 0 : i32
      %dma_wait3A_249 = tpu.memref_slice %arg3[%add3A_241, %dma_wait3A_247, %dma_wait3A_248] : memref<6272x2x128xi32, #tpu.memory_space<hbm>> -> memref<1x2x128xi32, #tpu.memory_space<hbm>>
      %dma_wait3A_250 = tpu.memref_squeeze %dma_wait3A_249 : memref<1x2x128xi32, #tpu.memory_space<hbm>> -> memref<2x128xi32, #tpu.memory_space<hbm>>
      %dma_wait3A_251 = arith.constant 0 : i32
      %dma_wait3A_252 = arith.constant 0 : i32
      %dma_wait3A_253 = tpu.memref_slice %arg7[%dma_wait3A_242, %dma_wait3A_251, %dma_wait3A_252] : memref<2x2x128xi32, #tpu.memory_space<vmem>> -> memref<1x2x128xi32, #tpu.memory_space<vmem>>
      %dma_wait3A_254 = tpu.memref_squeeze %dma_wait3A_253 : memref<1x2x128xi32, #tpu.memory_space<vmem>> -> memref<2x128xi32, #tpu.memory_space<vmem>>
      %dma_wait3A_255 = arith.constant 0 : i32
      %dma_wait3A_256 = arith.constant 0 : i32
      %dma_wait3A_257 = tpu.memref_slice %arg3[%add3A_241, %dma_wait3A_255, %dma_wait3A_256] : memref<6272x2x128xi32, #tpu.memory_space<hbm>> -> memref<1x2x128xi32, #tpu.memory_space<hbm>>
      %dma_wait3A_258 = tpu.memref_squeeze %dma_wait3A_257 : memref<1x2x128xi32, #tpu.memory_space<hbm>> -> memref<2x128xi32, #tpu.memory_space<hbm>>
      tpu.wait_dma2 semaphore(%arg9 : memref<!tpu.dma_semaphore, #tpu.memory_space<semaphore_mem>>) src(%dma_wait3A_258 : memref<2x128xi32, #tpu.memory_space<hbm>>) dst(%dma_wait3A_254 : memref<2x128xi32, #tpu.memory_space<vmem>>)
      %dma_start3A_259 = arith.constant 0 : i32
      %dma_start3A_260 = arith.constant 0 : i32
      %dma_start3A_261 = arith.constant 0 : i32
      %dma_start3A_262 = arith.constant 0 : i32
      %dma_start3A_263 = arith.constant 0 : i32
      %dma_start3A_264 = tpu.memref_slice %arg8[%dma_start3A_261, %dma_start3A_262, %dma_start3A_263] : memref<2x128x64xbf16, #tpu.memory_space<vmem>> -> memref<1x128x64xbf16, #tpu.memory_space<vmem>>
      %dma_start3A_265 = tpu.memref_squeeze %dma_start3A_264 : memref<1x128x64xbf16, #tpu.memory_space<vmem>> -> memref<128x64xbf16, #tpu.memory_space<vmem>>
      %dma_start3A_266 = arith.constant 0 : i32
      %dma_start3A_267 = tpu.memref_slice %arg7[%dma_start3A_259, %dma_start3A_260, %dma_start3A_266] : memref<2x2x128xi32, #tpu.memory_space<vmem>> -> memref<1x1x128xi32, #tpu.memory_space<vmem>>
      %dma_start3A_268 = tpu.memref_squeeze %dma_start3A_267 : memref<1x1x128xi32, #tpu.memory_space<vmem>> -> memref<128xi32, #tpu.memory_space<vmem>>
      %dma_start3A_269 = arith.constant 0 : i32
      %dma_start3A_270 = arith.constant 0 : i32
      %dma_start3A_271 = tpu.memref_slice %arg2[%dma_start3A_269, %dma_start3A_270] : memref<50000x64xbf16, #tpu.memory_space<hbm>> -> memref<50000x64xbf16, #tpu.memory_space<hbm>>
      tpu.enqueue_indirect_dma source(%dma_start3A_271 : memref<50000x64xbf16, #tpu.memory_space<hbm>>) target(%dma_start3A_265 : memref<128x64xbf16, #tpu.memory_space<vmem>>) offsets(%dma_start3A_268 : memref<128xi32, #tpu.memory_space<vmem>>) semaphore(%arg11 : memref<!tpu.dma_semaphore, #tpu.memory_space<semaphore_mem>>)
      %run_scoped3A_272 = arith.constant 1 : i32
      %run_scoped3A_273 = arith.constant 1 : i32
      %run_scoped3A_274 = arith.constant 1 : i32
      "tpu.region"() ({
        %run_scoped3A_295 = tpu.sem_alloc : memref<!tpu.dma_semaphore, #tpu.memory_space<semaphore_mem>>
        %dma_start3A_296 = arith.constant 0 : i32
        %dma_start3A_297 = arith.constant 0 : i32
        %dma_start3A_298 = tpu.memref_slice %arg8[%run_scoped3A_272, %dma_start3A_296, %dma_start3A_297] : memref<2x128x64xbf16, #tpu.memory_space<vmem>> -> memref<1x128x64xbf16, #tpu.memory_space<vmem>>
        %dma_start3A_299 = tpu.memref_squeeze %dma_start3A_298 : memref<1x128x64xbf16, #tpu.memory_space<vmem>> -> memref<128x64xbf16, #tpu.memory_space<vmem>>
        %dma_start3A_300 = arith.constant 0 : i32
        %dma_start3A_301 = tpu.memref_slice %arg7[%run_scoped3A_273, %run_scoped3A_274, %dma_start3A_300] : memref<2x2x128xi32, #tpu.memory_space<vmem>> -> memref<1x1x128xi32, #tpu.memory_space<vmem>>
        %dma_start3A_302 = tpu.memref_squeeze %dma_start3A_301 : memref<1x1x128xi32, #tpu.memory_space<vmem>> -> memref<128xi32, #tpu.memory_space<vmem>>
        %dma_start3A_303 = arith.constant 0 : i32
        %dma_start3A_304 = arith.constant 0 : i32
        %dma_start3A_305 = tpu.memref_slice %arg6[%dma_start3A_303, %dma_start3A_304] : memref<50176x64xbf16, #tpu.memory_space<vmem_shared>> -> memref<50176x64xbf16, #tpu.memory_space<vmem_shared>>
        tpu.enqueue_indirect_dma source(%dma_start3A_299 : memref<128x64xbf16, #tpu.memory_space<vmem>>) target(%dma_start3A_305 : memref<50176x64xbf16, #tpu.memory_space<vmem_shared>>) offsets(%dma_start3A_302 : memref<128xi32, #tpu.memory_space<vmem>>) semaphore(%run_scoped3A_295 : memref<!tpu.dma_semaphore, #tpu.memory_space<semaphore_mem>>) {add = true}
        %dma_wait3A_306 = arith.constant 0 : i32
        %dma_wait3A_307 = arith.constant 0 : i32
        %dma_wait3A_308 = tpu.memref_slice %arg8[%run_scoped3A_272, %dma_wait3A_306, %dma_wait3A_307] : memref<2x128x64xbf16, #tpu.memory_space<vmem>> -> memref<1x128x64xbf16, #tpu.memory_space<vmem>>
        %dma_wait3A_309 = tpu.memref_squeeze %dma_wait3A_308 : memref<1x128x64xbf16, #tpu.memory_space<vmem>> -> memref<128x64xbf16, #tpu.memory_space<vmem>>
        %dma_wait3A_310 = arith.constant 0 : i32
        %dma_wait3A_311 = tpu.memref_slice %arg7[%run_scoped3A_273, %run_scoped3A_274, %dma_wait3A_310] : memref<2x2x128xi32, #tpu.memory_space<vmem>> -> memref<1x1x128xi32, #tpu.memory_space<vmem>>
        %dma_wait3A_312 = tpu.memref_squeeze %dma_wait3A_311 : memref<1x1x128xi32, #tpu.memory_space<vmem>> -> memref<128xi32, #tpu.memory_space<vmem>>
        %dma_wait3A_313 = arith.constant 0 : i32
        %dma_wait3A_314 = arith.constant 0 : i32
        %dma_wait3A_315 = tpu.memref_slice %arg6[%dma_wait3A_313, %dma_wait3A_314] : memref<50176x64xbf16, #tpu.memory_space<vmem_shared>> -> memref<50176x64xbf16, #tpu.memory_space<vmem_shared>>
        tpu.wait_indirect_dma semaphore(%run_scoped3A_295 : memref<!tpu.dma_semaphore, #tpu.memory_space<semaphore_mem>>) src(%dma_wait3A_309 : memref<128x64xbf16, #tpu.memory_space<vmem>>) dst(%dma_wait3A_315 : memref<50176x64xbf16, #tpu.memory_space<vmem_shared>>)
        tpu.yield
      }) : () -> ()
      %add3A_275 = arith.constant 2 : i32
      %add3A_276 = arith.addi %add3A_225, %add3A_275 : i32
      %add3A_277 = arith.addi %add3A, %add3A_276 : i32
      %dma_start3A_278 = arith.constant 1 : i32
      %dma_start3A_279 = arith.constant 0 : i32
      %dma_start3A_280 = arith.constant 0 : i32
      %dma_start3A_281 = tpu.memref_slice %arg7[%dma_start3A_278, %dma_start3A_279, %dma_start3A_280] : memref<2x2x128xi32, #tpu.memory_space<vmem>> -> memref<1x2x128xi32, #tpu.memory_space<vmem>>
      %dma_start3A_282 = tpu.memref_squeeze %dma_start3A_281 : memref<1x2x128xi32, #tpu.memory_space<vmem>> -> memref<2x128xi32, #tpu.memory_space<vmem>>
      %dma_start3A_283 = arith.constant 0 : i32
      %dma_start3A_284 = arith.constant 0 : i32
      %dma_start3A_285 = tpu.memref_slice %arg3[%add3A_277, %dma_start3A_283, %dma_start3A_284] : memref<6272x2x128xi32, #tpu.memory_space<hbm>> -> memref<1x2x128xi32, #tpu.memory_space<hbm>>
      %dma_start3A_286 = tpu.memref_squeeze %dma_start3A_285 : memref<1x2x128xi32, #tpu.memory_space<hbm>> -> memref<2x128xi32, #tpu.memory_space<hbm>>
      %dma_start3A_287 = arith.constant 0 : i32
      %dma_start3A_288 = arith.constant 0 : i32
      %dma_start3A_289 = tpu.memref_slice %arg7[%dma_start3A_278, %dma_start3A_287, %dma_start3A_288] : memref<2x2x128xi32, #tpu.memory_space<vmem>> -> memref<1x2x128xi32, #tpu.memory_space<vmem>>
      %dma_start3A_290 = tpu.memref_squeeze %dma_start3A_289 : memref<1x2x128xi32, #tpu.memory_space<vmem>> -> memref<2x128xi32, #tpu.memory_space<vmem>>
      %dma_start3A_291 = arith.constant 0 : i32
      %dma_start3A_292 = arith.constant 0 : i32
      %dma_start3A_293 = tpu.memref_slice %arg3[%add3A_277, %dma_start3A_291, %dma_start3A_292] : memref<6272x2x128xi32, #tpu.memory_space<hbm>> -> memref<1x2x128xi32, #tpu.memory_space<hbm>>
      %dma_start3A_294 = tpu.memref_squeeze %dma_start3A_293 : memref<1x2x128xi32, #tpu.memory_space<hbm>> -> memref<2x128xi32, #tpu.memory_space<hbm>>
      tpu.enqueue_dma source(%dma_start3A_294 : memref<2x128xi32, #tpu.memory_space<hbm>>) target(%dma_start3A_290 : memref<2x128xi32, #tpu.memory_space<vmem>>) target_semaphore(%arg10 : memref<!tpu.dma_semaphore, #tpu.memory_space<semaphore_mem>>)
    }
    %scan3A_77 = arith.constant 97 : i32
    %dma_wait3A_78 = arith.constant 0 : i32
    %dma_wait3A_79 = arith.constant 0 : i32
    %dma_wait3A_80 = arith.constant 0 : i32
    %dma_wait3A_81 = arith.constant 0 : i32
    %dma_wait3A_82 = arith.constant 0 : i32
    %dma_wait3A_83 = tpu.memref_slice %arg8[%dma_wait3A_80, %dma_wait3A_81, %dma_wait3A_82] : memref<2x128x64xbf16, #tpu.memory_space<vmem>> -> memref<1x128x64xbf16, #tpu.memory_space<vmem>>
    %dma_wait3A_84 = tpu.memref_squeeze %dma_wait3A_83 : memref<1x128x64xbf16, #tpu.memory_space<vmem>> -> memref<128x64xbf16, #tpu.memory_space<vmem>>
    %dma_wait3A_85 = arith.constant 0 : i32
    %dma_wait3A_86 = tpu.memref_slice %arg7[%dma_wait3A_78, %dma_wait3A_79, %dma_wait3A_85] : memref<2x2x128xi32, #tpu.memory_space<vmem>> -> memref<1x1x128xi32, #tpu.memory_space<vmem>>
    %dma_wait3A_87 = tpu.memref_squeeze %dma_wait3A_86 : memref<1x1x128xi32, #tpu.memory_space<vmem>> -> memref<128xi32, #tpu.memory_space<vmem>>
    %dma_wait3A_88 = arith.constant 0 : i32
    %dma_wait3A_89 = arith.constant 0 : i32
    %dma_wait3A_90 = tpu.memref_slice %arg2[%dma_wait3A_88, %dma_wait3A_89] : memref<50000x64xbf16, #tpu.memory_space<hbm>> -> memref<50000x64xbf16, #tpu.memory_space<hbm>>
    tpu.wait_indirect_dma semaphore(%arg11 : memref<!tpu.dma_semaphore, #tpu.memory_space<semaphore_mem>>) src(%dma_wait3A_90 : memref<50000x64xbf16, #tpu.memory_space<hbm>>) dst(%dma_wait3A_84 : memref<128x64xbf16, #tpu.memory_space<vmem>>)
    %add3A_91 = arith.constant 195 : i32
    %add3A_92 = arith.addi %add3A, %add3A_91 : i32
    %dma_wait3A_93 = arith.constant 1 : i32
    %dma_wait3A_94 = arith.constant 0 : i32
    %dma_wait3A_95 = arith.constant 0 : i32
    %dma_wait3A_96 = tpu.memref_slice %arg7[%dma_wait3A_93, %dma_wait3A_94, %dma_wait3A_95] : memref<2x2x128xi32, #tpu.memory_space<vmem>> -> memref<1x2x128xi32, #tpu.memory_space<vmem>>
    %dma_wait3A_97 = tpu.memref_squeeze %dma_wait3A_96 : memref<1x2x128xi32, #tpu.memory_space<vmem>> -> memref<2x128xi32, #tpu.memory_space<vmem>>
    %dma_wait3A_98 = arith.constant 0 : i32
    %dma_wait3A_99 = arith.constant 0 : i32
    %dma_wait3A_100 = tpu.memref_slice %arg3[%add3A_92, %dma_wait3A_98, %dma_wait3A_99] : memref<6272x2x128xi32, #tpu.memory_space<hbm>> -> memref<1x2x128xi32, #tpu.memory_space<hbm>>
    %dma_wait3A_101 = tpu.memref_squeeze %dma_wait3A_100 : memref<1x2x128xi32, #tpu.memory_space<hbm>> -> memref<2x128xi32, #tpu.memory_space<hbm>>
    %dma_wait3A_102 = arith.constant 0 : i32
    %dma_wait3A_103 = arith.constant 0 : i32
    %dma_wait3A_104 = tpu.memref_slice %arg7[%dma_wait3A_93, %dma_wait3A_102, %dma_wait3A_103] : memref<2x2x128xi32, #tpu.memory_space<vmem>> -> memref<1x2x128xi32, #tpu.memory_space<vmem>>
    %dma_wait3A_105 = tpu.memref_squeeze %dma_wait3A_104 : memref<1x2x128xi32, #tpu.memory_space<vmem>> -> memref<2x128xi32, #tpu.memory_space<vmem>>
    %dma_wait3A_106 = arith.constant 0 : i32
    %dma_wait3A_107 = arith.constant 0 : i32
    %dma_wait3A_108 = tpu.memref_slice %arg3[%add3A_92, %dma_wait3A_106, %dma_wait3A_107] : memref<6272x2x128xi32, #tpu.memory_space<hbm>> -> memref<1x2x128xi32, #tpu.memory_space<hbm>>
    %dma_wait3A_109 = tpu.memref_squeeze %dma_wait3A_108 : memref<1x2x128xi32, #tpu.memory_space<hbm>> -> memref<2x128xi32, #tpu.memory_space<hbm>>
    tpu.wait_dma2 semaphore(%arg10 : memref<!tpu.dma_semaphore, #tpu.memory_space<semaphore_mem>>) src(%dma_wait3A_109 : memref<2x128xi32, #tpu.memory_space<hbm>>) dst(%dma_wait3A_105 : memref<2x128xi32, #tpu.memory_space<vmem>>)
    %dma_start3A_110 = arith.constant 1 : i32
    %dma_start3A_111 = arith.constant 0 : i32
    %dma_start3A_112 = arith.constant 1 : i32
    %dma_start3A_113 = arith.constant 0 : i32
    %dma_start3A_114 = arith.constant 0 : i32
    %dma_start3A_115 = tpu.memref_slice %arg8[%dma_start3A_112, %dma_start3A_113, %dma_start3A_114] : memref<2x128x64xbf16, #tpu.memory_space<vmem>> -> memref<1x128x64xbf16, #tpu.memory_space<vmem>>
    %dma_start3A_116 = tpu.memref_squeeze %dma_start3A_115 : memref<1x128x64xbf16, #tpu.memory_space<vmem>> -> memref<128x64xbf16, #tpu.memory_space<vmem>>
    %dma_start3A_117 = arith.constant 0 : i32
    %dma_start3A_118 = tpu.memref_slice %arg7[%dma_start3A_110, %dma_start3A_111, %dma_start3A_117] : memref<2x2x128xi32, #tpu.memory_space<vmem>> -> memref<1x1x128xi32, #tpu.memory_space<vmem>>
    %dma_start3A_119 = tpu.memref_squeeze %dma_start3A_118 : memref<1x1x128xi32, #tpu.memory_space<vmem>> -> memref<128xi32, #tpu.memory_space<vmem>>
    %dma_start3A_120 = arith.constant 0 : i32
    %dma_start3A_121 = arith.constant 0 : i32
    %dma_start3A_122 = tpu.memref_slice %arg2[%dma_start3A_120, %dma_start3A_121] : memref<50000x64xbf16, #tpu.memory_space<hbm>> -> memref<50000x64xbf16, #tpu.memory_space<hbm>>
    tpu.enqueue_indirect_dma source(%dma_start3A_122 : memref<50000x64xbf16, #tpu.memory_space<hbm>>) target(%dma_start3A_116 : memref<128x64xbf16, #tpu.memory_space<vmem>>) offsets(%dma_start3A_119 : memref<128xi32, #tpu.memory_space<vmem>>) semaphore(%arg12 : memref<!tpu.dma_semaphore, #tpu.memory_space<semaphore_mem>>)
    %run_scoped3A = arith.constant 0 : i32
    %run_scoped3A_123 = arith.constant 0 : i32
    %run_scoped3A_124 = arith.constant 1 : i32
    "tpu.region"() ({
      %run_scoped3A_150 = tpu.sem_alloc : memref<!tpu.dma_semaphore, #tpu.memory_space<semaphore_mem>>
      %dma_start3A_151 = arith.constant 0 : i32
      %dma_start3A_152 = arith.constant 0 : i32
      %dma_start3A_153 = tpu.memref_slice %arg8[%run_scoped3A, %dma_start3A_151, %dma_start3A_152] : memref<2x128x64xbf16, #tpu.memory_space<vmem>> -> memref<1x128x64xbf16, #tpu.memory_space<vmem>>
      %dma_start3A_154 = tpu.memref_squeeze %dma_start3A_153 : memref<1x128x64xbf16, #tpu.memory_space<vmem>> -> memref<128x64xbf16, #tpu.memory_space<vmem>>
      %dma_start3A_155 = arith.constant 0 : i32
      %dma_start3A_156 = tpu.memref_slice %arg7[%run_scoped3A_123, %run_scoped3A_124, %dma_start3A_155] : memref<2x2x128xi32, #tpu.memory_space<vmem>> -> memref<1x1x128xi32, #tpu.memory_space<vmem>>
      %dma_start3A_157 = tpu.memref_squeeze %dma_start3A_156 : memref<1x1x128xi32, #tpu.memory_space<vmem>> -> memref<128xi32, #tpu.memory_space<vmem>>
      %dma_start3A_158 = arith.constant 0 : i32
      %dma_start3A_159 = arith.constant 0 : i32
      %dma_start3A_160 = tpu.memref_slice %arg6[%dma_start3A_158, %dma_start3A_159] : memref<50176x64xbf16, #tpu.memory_space<vmem_shared>> -> memref<50176x64xbf16, #tpu.memory_space<vmem_shared>>
      tpu.enqueue_indirect_dma source(%dma_start3A_154 : memref<128x64xbf16, #tpu.memory_space<vmem>>) target(%dma_start3A_160 : memref<50176x64xbf16, #tpu.memory_space<vmem_shared>>) offsets(%dma_start3A_157 : memref<128xi32, #tpu.memory_space<vmem>>) semaphore(%run_scoped3A_150 : memref<!tpu.dma_semaphore, #tpu.memory_space<semaphore_mem>>) {add = true}
      %dma_wait3A_161 = arith.constant 0 : i32
      %dma_wait3A_162 = arith.constant 0 : i32
      %dma_wait3A_163 = tpu.memref_slice %arg8[%run_scoped3A, %dma_wait3A_161, %dma_wait3A_162] : memref<2x128x64xbf16, #tpu.memory_space<vmem>> -> memref<1x128x64xbf16, #tpu.memory_space<vmem>>
      %dma_wait3A_164 = tpu.memref_squeeze %dma_wait3A_163 : memref<1x128x64xbf16, #tpu.memory_space<vmem>> -> memref<128x64xbf16, #tpu.memory_space<vmem>>
      %dma_wait3A_165 = arith.constant 0 : i32
      %dma_wait3A_166 = tpu.memref_slice %arg7[%run_scoped3A_123, %run_scoped3A_124, %dma_wait3A_165] : memref<2x2x128xi32, #tpu.memory_space<vmem>> -> memref<1x1x128xi32, #tpu.memory_space<vmem>>
      %dma_wait3A_167 = tpu.memref_squeeze %dma_wait3A_166 : memref<1x1x128xi32, #tpu.memory_space<vmem>> -> memref<128xi32, #tpu.memory_space<vmem>>
      %dma_wait3A_168 = arith.constant 0 : i32
      %dma_wait3A_169 = arith.constant 0 : i32
      %dma_wait3A_170 = tpu.memref_slice %arg6[%dma_wait3A_168, %dma_wait3A_169] : memref<50176x64xbf16, #tpu.memory_space<vmem_shared>> -> memref<50176x64xbf16, #tpu.memory_space<vmem_shared>>
      tpu.wait_indirect_dma semaphore(%run_scoped3A_150 : memref<!tpu.dma_semaphore, #tpu.memory_space<semaphore_mem>>) src(%dma_wait3A_164 : memref<128x64xbf16, #tpu.memory_space<vmem>>) dst(%dma_wait3A_170 : memref<50176x64xbf16, #tpu.memory_space<vmem_shared>>)
      tpu.yield
    }) : () -> ()
    %dma_wait3A_125 = arith.constant 1 : i32
    %dma_wait3A_126 = arith.constant 0 : i32
    %dma_wait3A_127 = arith.constant 1 : i32
    %dma_wait3A_128 = arith.constant 0 : i32
    %dma_wait3A_129 = arith.constant 0 : i32
    %dma_wait3A_130 = tpu.memref_slice %arg8[%dma_wait3A_127, %dma_wait3A_128, %dma_wait3A_129] : memref<2x128x64xbf16, #tpu.memory_space<vmem>> -> memref<1x128x64xbf16, #tpu.memory_space<vmem>>
    %dma_wait3A_131 = tpu.memref_squeeze %dma_wait3A_130 : memref<1x128x64xbf16, #tpu.memory_space<vmem>> -> memref<128x64xbf16, #tpu.memory_space<vmem>>
    %dma_wait3A_132 = arith.constant 0 : i32
    %dma_wait3A_133 = tpu.memref_slice %arg7[%dma_wait3A_125, %dma_wait3A_126, %dma_wait3A_132] : memref<2x2x128xi32, #tpu.memory_space<vmem>> -> memref<1x1x128xi32, #tpu.memory_space<vmem>>
    %dma_wait3A_134 = tpu.memref_squeeze %dma_wait3A_133 : memref<1x1x128xi32, #tpu.memory_space<vmem>> -> memref<128xi32, #tpu.memory_space<vmem>>
    %dma_wait3A_135 = arith.constant 0 : i32
    %dma_wait3A_136 = arith.constant 0 : i32
    %dma_wait3A_137 = tpu.memref_slice %arg2[%dma_wait3A_135, %dma_wait3A_136] : memref<50000x64xbf16, #tpu.memory_space<hbm>> -> memref<50000x64xbf16, #tpu.memory_space<hbm>>
    tpu.wait_indirect_dma semaphore(%arg12 : memref<!tpu.dma_semaphore, #tpu.memory_space<semaphore_mem>>) src(%dma_wait3A_137 : memref<50000x64xbf16, #tpu.memory_space<hbm>>) dst(%dma_wait3A_131 : memref<128x64xbf16, #tpu.memory_space<vmem>>)
    %run_scoped3A_138 = arith.constant 1 : i32
    %run_scoped3A_139 = arith.constant 1 : i32
    %run_scoped3A_140 = arith.constant 1 : i32
    "tpu.region"() ({
      %run_scoped3A_150 = tpu.sem_alloc : memref<!tpu.dma_semaphore, #tpu.memory_space<semaphore_mem>>
      %dma_start3A_151 = arith.constant 0 : i32
      %dma_start3A_152 = arith.constant 0 : i32
      %dma_start3A_153 = tpu.memref_slice %arg8[%run_scoped3A_138, %dma_start3A_151, %dma_start3A_152] : memref<2x128x64xbf16, #tpu.memory_space<vmem>> -> memref<1x128x64xbf16, #tpu.memory_space<vmem>>
      %dma_start3A_154 = tpu.memref_squeeze %dma_start3A_153 : memref<1x128x64xbf16, #tpu.memory_space<vmem>> -> memref<128x64xbf16, #tpu.memory_space<vmem>>
      %dma_start3A_155 = arith.constant 0 : i32
      %dma_start3A_156 = tpu.memref_slice %arg7[%run_scoped3A_139, %run_scoped3A_140, %dma_start3A_155] : memref<2x2x128xi32, #tpu.memory_space<vmem>> -> memref<1x1x128xi32, #tpu.memory_space<vmem>>
      %dma_start3A_157 = tpu.memref_squeeze %dma_start3A_156 : memref<1x1x128xi32, #tpu.memory_space<vmem>> -> memref<128xi32, #tpu.memory_space<vmem>>
      %dma_start3A_158 = arith.constant 0 : i32
      %dma_start3A_159 = arith.constant 0 : i32
      %dma_start3A_160 = tpu.memref_slice %arg6[%dma_start3A_158, %dma_start3A_159] : memref<50176x64xbf16, #tpu.memory_space<vmem_shared>> -> memref<50176x64xbf16, #tpu.memory_space<vmem_shared>>
      tpu.enqueue_indirect_dma source(%dma_start3A_154 : memref<128x64xbf16, #tpu.memory_space<vmem>>) target(%dma_start3A_160 : memref<50176x64xbf16, #tpu.memory_space<vmem_shared>>) offsets(%dma_start3A_157 : memref<128xi32, #tpu.memory_space<vmem>>) semaphore(%run_scoped3A_150 : memref<!tpu.dma_semaphore, #tpu.memory_space<semaphore_mem>>) {add = true}
      %dma_wait3A_161 = arith.constant 0 : i32
      %dma_wait3A_162 = arith.constant 0 : i32
      %dma_wait3A_163 = tpu.memref_slice %arg8[%run_scoped3A_138, %dma_wait3A_161, %dma_wait3A_162] : memref<2x128x64xbf16, #tpu.memory_space<vmem>> -> memref<1x128x64xbf16, #tpu.memory_space<vmem>>
      %dma_wait3A_164 = tpu.memref_squeeze %dma_wait3A_163 : memref<1x128x64xbf16, #tpu.memory_space<vmem>> -> memref<128x64xbf16, #tpu.memory_space<vmem>>
      %dma_wait3A_165 = arith.constant 0 : i32
      %dma_wait3A_166 = tpu.memref_slice %arg7[%run_scoped3A_139, %run_scoped3A_140, %dma_wait3A_165] : memref<2x2x128xi32, #tpu.memory_space<vmem>> -> memref<1x1x128xi32, #tpu.memory_space<vmem>>
      %dma_wait3A_167 = tpu.memref_squeeze %dma_wait3A_166 : memref<1x1x128xi32, #tpu.memory_space<vmem>> -> memref<128xi32, #tpu.memory_space<vmem>>
      %dma_wait3A_168 = arith.constant 0 : i32
      %dma_wait3A_169 = arith.constant 0 : i32
      %dma_wait3A_170 = tpu.memref_slice %arg6[%dma_wait3A_168, %dma_wait3A_169] : memref<50176x64xbf16, #tpu.memory_space<vmem_shared>> -> memref<50176x64xbf16, #tpu.memory_space<vmem_shared>>
      tpu.wait_indirect_dma semaphore(%run_scoped3A_150 : memref<!tpu.dma_semaphore, #tpu.memory_space<semaphore_mem>>) src(%dma_wait3A_164 : memref<128x64xbf16, #tpu.memory_space<vmem>>) dst(%dma_wait3A_170 : memref<50176x64xbf16, #tpu.memory_space<vmem_shared>>)
      tpu.yield
    }) : () -> ()
    %barrier3A_141 = arith.constant 0 : index
    tpu.barrier barrier_id(%barrier3A_141)
    %mul3A_142 = arith.constant 3136 : i32
    %mul3A_143 = arith.muli %arg1, %mul3A_142 : i32
    %lt3A = arith.constant 15 : i32
    %lt3A_144 = arith.cmpi slt, %arg1, %lt3A : i32
    %convert_element_type3A = arith.extui %lt3A_144 : i1 to i32
    %cond3A = arith.constant 0 : i32
    %cond3A_145 = arith.cmpi ne, %convert_element_type3A, %cond3A : i32
    scf.if %cond3A_145 {
      "tpu.region"() ({
        %run_scoped3A_150 = tpu.sem_alloc : memref<!tpu.dma_semaphore, #tpu.memory_space<semaphore_mem>>
        %dma_start3A_151 = arith.constant 0 : i32
        %dma_start3A_152 = tpu.memref_slice %arg5[%arg0, %mul3A_143, %dma_start3A_151] : memref<2x50000x64xbf16, #tpu.memory_space<hbm>> -> memref<1x3136x64xbf16, #tpu.memory_space<hbm>>
        %dma_start3A_153 = tpu.memref_squeeze %dma_start3A_152 : memref<1x3136x64xbf16, #tpu.memory_space<hbm>> -> memref<3136x64xbf16, #tpu.memory_space<hbm>>
        %dma_start3A_154 = arith.constant 0 : i32
        %dma_start3A_155 = tpu.memref_slice %arg6[%mul3A_143, %dma_start3A_154] : memref<50176x64xbf16, #tpu.memory_space<vmem_shared>> -> memref<3136x64xbf16, #tpu.memory_space<vmem_shared>>
        tpu.enqueue_dma source(%dma_start3A_155 : memref<3136x64xbf16, #tpu.memory_space<vmem_shared>>) target(%dma_start3A_153 : memref<3136x64xbf16, #tpu.memory_space<hbm>>) target_semaphore(%run_scoped3A_150 : memref<!tpu.dma_semaphore, #tpu.memory_space<semaphore_mem>>)
        %dma_wait3A_156 = arith.constant 0 : i32
        %dma_wait3A_157 = tpu.memref_slice %arg5[%arg0, %mul3A_143, %dma_wait3A_156] : memref<2x50000x64xbf16, #tpu.memory_space<hbm>> -> memref<1x3136x64xbf16, #tpu.memory_space<hbm>>
        %dma_wait3A_158 = tpu.memref_squeeze %dma_wait3A_157 : memref<1x3136x64xbf16, #tpu.memory_space<hbm>> -> memref<3136x64xbf16, #tpu.memory_space<hbm>>
        %dma_wait3A_159 = arith.constant 0 : i32
        %dma_wait3A_160 = tpu.memref_slice %arg6[%mul3A_143, %dma_wait3A_159] : memref<50176x64xbf16, #tpu.memory_space<vmem_shared>> -> memref<3136x64xbf16, #tpu.memory_space<vmem_shared>>
        tpu.wait_dma2 semaphore(%run_scoped3A_150 : memref<!tpu.dma_semaphore, #tpu.memory_space<semaphore_mem>>) src(%dma_wait3A_160 : memref<3136x64xbf16, #tpu.memory_space<vmem_shared>>) dst(%dma_wait3A_158 : memref<3136x64xbf16, #tpu.memory_space<hbm>>)
        tpu.yield
      }) : () -> ()
    } else {
    }
    %eq3A = arith.constant 15 : i32
    %eq3A_146 = arith.cmpi eq, %arg1, %eq3A : i32
    %convert_element_type3A_147 = arith.extui %eq3A_146 : i1 to i32
    %cond3A_148 = arith.constant 0 : i32
    %cond3A_149 = arith.cmpi ne, %convert_element_type3A_147, %cond3A_148 : i32
    scf.if %cond3A_149 {
      "tpu.region"() ({
        %run_scoped3A_150 = tpu.sem_alloc : memref<!tpu.dma_semaphore, #tpu.memory_space<semaphore_mem>>
        %dma_start3A_151 = arith.constant 0 : i32
        %dma_start3A_152 = tpu.memref_slice %arg5[%arg0, %mul3A_143, %dma_start3A_151] : memref<2x50000x64xbf16, #tpu.memory_space<hbm>> -> memref<1x2960x64xbf16, #tpu.memory_space<hbm>>
        %dma_start3A_153 = tpu.memref_squeeze %dma_start3A_152 : memref<1x2960x64xbf16, #tpu.memory_space<hbm>> -> memref<2960x64xbf16, #tpu.memory_space<hbm>>
        %dma_start3A_154 = arith.constant 0 : i32
        %dma_start3A_155 = tpu.memref_slice %arg6[%mul3A_143, %dma_start3A_154] : memref<50176x64xbf16, #tpu.memory_space<vmem_shared>> -> memref<2960x64xbf16, #tpu.memory_space<vmem_shared>>
        tpu.enqueue_dma source(%dma_start3A_155 : memref<2960x64xbf16, #tpu.memory_space<vmem_shared>>) target(%dma_start3A_153 : memref<2960x64xbf16, #tpu.memory_space<hbm>>) target_semaphore(%run_scoped3A_150 : memref<!tpu.dma_semaphore, #tpu.memory_space<semaphore_mem>>)
        %dma_wait3A_156 = arith.constant 0 : i32
        %dma_wait3A_157 = tpu.memref_slice %arg5[%arg0, %mul3A_143, %dma_wait3A_156] : memref<2x50000x64xbf16, #tpu.memory_space<hbm>> -> memref<1x2960x64xbf16, #tpu.memory_space<hbm>>
        %dma_wait3A_158 = tpu.memref_squeeze %dma_wait3A_157 : memref<1x2960x64xbf16, #tpu.memory_space<hbm>> -> memref<2960x64xbf16, #tpu.memory_space<hbm>>
        %dma_wait3A_159 = arith.constant 0 : i32
        %dma_wait3A_160 = tpu.memref_slice %arg6[%mul3A_143, %dma_wait3A_159] : memref<50176x64xbf16, #tpu.memory_space<vmem_shared>> -> memref<2960x64xbf16, #tpu.memory_space<vmem_shared>>
        tpu.wait_dma2 semaphore(%run_scoped3A_150 : memref<!tpu.dma_semaphore, #tpu.memory_space<semaphore_mem>>) src(%dma_wait3A_160 : memref<2960x64xbf16, #tpu.memory_space<vmem_shared>>) dst(%dma_wait3A_158 : memref<2960x64xbf16, #tpu.memory_space<hbm>>)
        tpu.yield
      }) : () -> ()
    } else {
    }
    return
  }
}

#map = affine_map<(d0, d1) -> (0, 0)>
#map1 = affine_map<(d0, d1) -> (0, 0, 0)>
module attributes {stable_mosaic.version = 14 : i64} {
  func.func @_sc_body(%arg0: i32, %arg1: i32, %arg2: memref<50000x64xbf16, #tpu.memory_space<hbm>>, %arg3: memref<6272x2x128xi32, #tpu.memory_space<hbm>>, %arg4: memref<3136x64xbf16, #tpu.memory_space<hbm>>, %arg5: memref<2x50000x64xbf16, #tpu.memory_space<hbm>>, %arg6: memref<50176x64xbf16, #tpu.memory_space<vmem_shared>>, %arg7: memref<2x2x128xi32, #tpu.memory_space<vmem>>, %arg8: memref<2x128x64xbf16, #tpu.memory_space<vmem>>, %arg9: memref<!tpu.dma_semaphore, #tpu.memory_space<semaphore_mem>>, %arg10: memref<!tpu.dma_semaphore, #tpu.memory_space<semaphore_mem>>, %arg11: memref<!tpu.dma_semaphore, #tpu.memory_space<semaphore_mem>>, %arg12: memref<!tpu.dma_semaphore, #tpu.memory_space<semaphore_mem>>) attributes {dimension_semantics = [#tpu.dimension_semantics<core_parallel>, #tpu.dimension_semantics<subcore_parallel>], iteration_bounds = array<i64: 2, 16>, scalar_prefetch = 0 : i64, scratch_operands = 7 : i64, tpu.core_type = #tpu.core_type<sc_vector_subcore>, window_params = [{transform_indices = #map}, {transform_indices = #map1}, {transform_indices = #map}, {transform_indices = #map1}]} {
    %mul3A = arith.constant 3136 : i32
    %mul3A_0 = arith.muli %arg0, %mul3A : i32
    %mul3A_1 = arith.constant 196 : i32
    %mul3A_2 = arith.muli %arg1, %mul3A_1 : i32
    %add3A = arith.addi %mul3A_0, %mul3A_2 : i32
    %mul3A_3 = arith.constant 3136 : i32
    %mul3A_4 = arith.muli %arg1, %mul3A_3 : i32
    "tpu.region"() ({
      %run_scoped3A_150 = tpu.sem_alloc : memref<!tpu.dma_semaphore, #tpu.memory_space<semaphore_mem>>
      %dma_start3A_151 = arith.constant 0 : i32
      %dma_start3A_152 = tpu.memref_slice %arg6[%mul3A_4, %dma_start3A_151] : memref<50176x64xbf16, #tpu.memory_space<vmem_shared>> -> memref<3136x64xbf16, #tpu.memory_space<vmem_shared>>
      tpu.enqueue_dma source(%arg4 : memref<3136x64xbf16, #tpu.memory_space<hbm>>) target(%dma_start3A_152 : memref<3136x64xbf16, #tpu.memory_space<vmem_shared>>) target_semaphore(%run_scoped3A_150 : memref<!tpu.dma_semaphore, #tpu.memory_space<semaphore_mem>>)
      %dma_wait3A_153 = arith.constant 0 : i32
      %dma_wait3A_154 = tpu.memref_slice %arg6[%mul3A_4, %dma_wait3A_153] : memref<50176x64xbf16, #tpu.memory_space<vmem_shared>> -> memref<3136x64xbf16, #tpu.memory_space<vmem_shared>>
      tpu.wait_dma2 semaphore(%run_scoped3A_150 : memref<!tpu.dma_semaphore, #tpu.memory_space<semaphore_mem>>) src(%arg4 : memref<3136x64xbf16, #tpu.memory_space<hbm>>) dst(%dma_wait3A_154 : memref<3136x64xbf16, #tpu.memory_space<vmem_shared>>)
      tpu.yield
    }) : () -> ()
    %barrier3A = arith.constant 0 : index
    tpu.barrier barrier_id(%barrier3A)
    %add3A_5 = arith.constant 0 : i32
    %add3A_6 = arith.addi %add3A, %add3A_5 : i32
    %dma_start3A = arith.constant 0 : i32
    %dma_start3A_7 = arith.constant 0 : i32
    %dma_start3A_8 = arith.constant 0 : i32
    %dma_start3A_9 = tpu.memref_slice %arg7[%dma_start3A, %dma_start3A_7, %dma_start3A_8] : memref<2x2x128xi32, #tpu.memory_space<vmem>> -> memref<1x2x128xi32, #tpu.memory_space<vmem>>
    %dma_start3A_10 = tpu.memref_squeeze %dma_start3A_9 : memref<1x2x128xi32, #tpu.memory_space<vmem>> -> memref<2x128xi32, #tpu.memory_space<vmem>>
    %dma_start3A_11 = arith.constant 0 : i32
    %dma_start3A_12 = arith.constant 0 : i32
    %dma_start3A_13 = tpu.memref_slice %arg3[%add3A_6, %dma_start3A_11, %dma_start3A_12] : memref<6272x2x128xi32, #tpu.memory_space<hbm>> -> memref<1x2x128xi32, #tpu.memory_space<hbm>>
    %dma_start3A_14 = tpu.memref_squeeze %dma_start3A_13 : memref<1x2x128xi32, #tpu.memory_space<hbm>> -> memref<2x128xi32, #tpu.memory_space<hbm>>
    %dma_start3A_15 = arith.constant 0 : i32
    %dma_start3A_16 = arith.constant 0 : i32
    %dma_start3A_17 = tpu.memref_slice %arg7[%dma_start3A, %dma_start3A_15, %dma_start3A_16] : memref<2x2x128xi32, #tpu.memory_space<vmem>> -> memref<1x2x128xi32, #tpu.memory_space<vmem>>
    %dma_start3A_18 = tpu.memref_squeeze %dma_start3A_17 : memref<1x2x128xi32, #tpu.memory_space<vmem>> -> memref<2x128xi32, #tpu.memory_space<vmem>>
    %dma_start3A_19 = arith.constant 0 : i32
    %dma_start3A_20 = arith.constant 0 : i32
    %dma_start3A_21 = tpu.memref_slice %arg3[%add3A_6, %dma_start3A_19, %dma_start3A_20] : memref<6272x2x128xi32, #tpu.memory_space<hbm>> -> memref<1x2x128xi32, #tpu.memory_space<hbm>>
    %dma_start3A_22 = tpu.memref_squeeze %dma_start3A_21 : memref<1x2x128xi32, #tpu.memory_space<hbm>> -> memref<2x128xi32, #tpu.memory_space<hbm>>
    tpu.enqueue_dma source(%dma_start3A_22 : memref<2x128xi32, #tpu.memory_space<hbm>>) target(%dma_start3A_18 : memref<2x128xi32, #tpu.memory_space<vmem>>) target_semaphore(%arg9 : memref<!tpu.dma_semaphore, #tpu.memory_space<semaphore_mem>>)
    %add3A_23 = arith.constant 1 : i32
    %add3A_24 = arith.addi %add3A, %add3A_23 : i32
    %dma_start3A_25 = arith.constant 1 : i32
    %dma_start3A_26 = arith.constant 0 : i32
    %dma_start3A_27 = arith.constant 0 : i32
    %dma_start3A_28 = tpu.memref_slice %arg7[%dma_start3A_25, %dma_start3A_26, %dma_start3A_27] : memref<2x2x128xi32, #tpu.memory_space<vmem>> -> memref<1x2x128xi32, #tpu.memory_space<vmem>>
    %dma_start3A_29 = tpu.memref_squeeze %dma_start3A_28 : memref<1x2x128xi32, #tpu.memory_space<vmem>> -> memref<2x128xi32, #tpu.memory_space<vmem>>
    %dma_start3A_30 = arith.constant 0 : i32
    %dma_start3A_31 = arith.constant 0 : i32
    %dma_start3A_32 = tpu.memref_slice %arg3[%add3A_24, %dma_start3A_30, %dma_start3A_31] : memref<6272x2x128xi32, #tpu.memory_space<hbm>> -> memref<1x2x128xi32, #tpu.memory_space<hbm>>
    %dma_start3A_33 = tpu.memref_squeeze %dma_start3A_32 : memref<1x2x128xi32, #tpu.memory_space<hbm>> -> memref<2x128xi32, #tpu.memory_space<hbm>>
    %dma_start3A_34 = arith.constant 0 : i32
    %dma_start3A_35 = arith.constant 0 : i32
    %dma_start3A_36 = tpu.memref_slice %arg7[%dma_start3A_25, %dma_start3A_34, %dma_start3A_35] : memref<2x2x128xi32, #tpu.memory_space<vmem>> -> memref<1x2x128xi32, #tpu.memory_space<vmem>>
    %dma_start3A_37 = tpu.memref_squeeze %dma_start3A_36 : memref<1x2x128xi32, #tpu.memory_space<vmem>> -> memref<2x128xi32, #tpu.memory_space<vmem>>
    %dma_start3A_38 = arith.constant 0 : i32
    %dma_start3A_39 = arith.constant 0 : i32
    %dma_start3A_40 = tpu.memref_slice %arg3[%add3A_24, %dma_start3A_38, %dma_start3A_39] : memref<6272x2x128xi32, #tpu.memory_space<hbm>> -> memref<1x2x128xi32, #tpu.memory_space<hbm>>
    %dma_start3A_41 = tpu.memref_squeeze %dma_start3A_40 : memref<1x2x128xi32, #tpu.memory_space<hbm>> -> memref<2x128xi32, #tpu.memory_space<hbm>>
    tpu.enqueue_dma source(%dma_start3A_41 : memref<2x128xi32, #tpu.memory_space<hbm>>) target(%dma_start3A_37 : memref<2x128xi32, #tpu.memory_space<vmem>>) target_semaphore(%arg10 : memref<!tpu.dma_semaphore, #tpu.memory_space<semaphore_mem>>)
    %add3A_42 = arith.constant 0 : i32
    %add3A_43 = arith.addi %add3A, %add3A_42 : i32
    %dma_wait3A = arith.constant 0 : i32
    %dma_wait3A_44 = arith.constant 0 : i32
    %dma_wait3A_45 = arith.constant 0 : i32
    %dma_wait3A_46 = tpu.memref_slice %arg7[%dma_wait3A, %dma_wait3A_44, %dma_wait3A_45] : memref<2x2x128xi32, #tpu.memory_space<vmem>> -> memref<1x2x128xi32, #tpu.memory_space<vmem>>
    %dma_wait3A_47 = tpu.memref_squeeze %dma_wait3A_46 : memref<1x2x128xi32, #tpu.memory_space<vmem>> -> memref<2x128xi32, #tpu.memory_space<vmem>>
    %dma_wait3A_48 = arith.constant 0 : i32
    %dma_wait3A_49 = arith.constant 0 : i32
    %dma_wait3A_50 = tpu.memref_slice %arg3[%add3A_43, %dma_wait3A_48, %dma_wait3A_49] : memref<6272x2x128xi32, #tpu.memory_space<hbm>> -> memref<1x2x128xi32, #tpu.memory_space<hbm>>
    %dma_wait3A_51 = tpu.memref_squeeze %dma_wait3A_50 : memref<1x2x128xi32, #tpu.memory_space<hbm>> -> memref<2x128xi32, #tpu.memory_space<hbm>>
    %dma_wait3A_52 = arith.constant 0 : i32
    %dma_wait3A_53 = arith.constant 0 : i32
    %dma_wait3A_54 = tpu.memref_slice %arg7[%dma_wait3A, %dma_wait3A_52, %dma_wait3A_53] : memref<2x2x128xi32, #tpu.memory_space<vmem>> -> memref<1x2x128xi32, #tpu.memory_space<vmem>>
    %dma_wait3A_55 = tpu.memref_squeeze %dma_wait3A_54 : memref<1x2x128xi32, #tpu.memory_space<vmem>> -> memref<2x128xi32, #tpu.memory_space<vmem>>
    %dma_wait3A_56 = arith.constant 0 : i32
    %dma_wait3A_57 = arith.constant 0 : i32
    %dma_wait3A_58 = tpu.memref_slice %arg3[%add3A_43, %dma_wait3A_56, %dma_wait3A_57] : memref<6272x2x128xi32, #tpu.memory_space<hbm>> -> memref<1x2x128xi32, #tpu.memory_space<hbm>>
    %dma_wait3A_59 = tpu.memref_squeeze %dma_wait3A_58 : memref<1x2x128xi32, #tpu.memory_space<hbm>> -> memref<2x128xi32, #tpu.memory_space<hbm>>
    tpu.wait_dma2 semaphore(%arg9 : memref<!tpu.dma_semaphore, #tpu.memory_space<semaphore_mem>>) src(%dma_wait3A_59 : memref<2x128xi32, #tpu.memory_space<hbm>>) dst(%dma_wait3A_55 : memref<2x128xi32, #tpu.memory_space<vmem>>)
    %dma_start3A_60 = arith.constant 0 : i32
    %dma_start3A_61 = arith.constant 0 : i32
    %dma_start3A_62 = arith.constant 0 : i32
    %dma_start3A_63 = arith.constant 0 : i32
    %dma_start3A_64 = arith.constant 0 : i32
    %dma_start3A_65 = tpu.memref_slice %arg8[%dma_start3A_62, %dma_start3A_63, %dma_start3A_64] : memref<2x128x64xbf16, #tpu.memory_space<vmem>> -> memref<1x128x64xbf16, #tpu.memory_space<vmem>>
    %dma_start3A_66 = tpu.memref_squeeze %dma_start3A_65 : memref<1x128x64xbf16, #tpu.memory_space<vmem>> -> memref<128x64xbf16, #tpu.memory_space<vmem>>
    %dma_start3A_67 = arith.constant 0 : i32
    %dma_start3A_68 = tpu.memref_slice %arg7[%dma_start3A_60, %dma_start3A_61, %dma_start3A_67] : memref<2x2x128xi32, #tpu.memory_space<vmem>> -> memref<1x1x128xi32, #tpu.memory_space<vmem>>
    %dma_start3A_69 = tpu.memref_squeeze %dma_start3A_68 : memref<1x1x128xi32, #tpu.memory_space<vmem>> -> memref<128xi32, #tpu.memory_space<vmem>>
    %dma_start3A_70 = arith.constant 0 : i32
    %dma_start3A_71 = arith.constant 0 : i32
    %dma_start3A_72 = tpu.memref_slice %arg2[%dma_start3A_70, %dma_start3A_71] : memref<50000x64xbf16, #tpu.memory_space<hbm>> -> memref<50000x64xbf16, #tpu.memory_space<hbm>>
    tpu.enqueue_indirect_dma source(%dma_start3A_72 : memref<50000x64xbf16, #tpu.memory_space<hbm>>) target(%dma_start3A_66 : memref<128x64xbf16, #tpu.memory_space<vmem>>) offsets(%dma_start3A_69 : memref<128xi32, #tpu.memory_space<vmem>>) semaphore(%arg11 : memref<!tpu.dma_semaphore, #tpu.memory_space<semaphore_mem>>)
    %scan3A = arith.constant 0 : i32
    %scan3A_73 = arith.constant 0 : i32
    %scan3A_74 = arith.constant 97 : i32
    %scan3A_75 = arith.addi %scan3A_73, %scan3A_74 : i32
    %scan3A_76 = arith.constant 1 : i32
    scf.for %scan3A_150 = %scan3A_73 to %scan3A_75 step %scan3A_76  : i32 {
      %mul3A_151 = arith.constant 2 : i32
      %mul3A_152 = arith.muli %mul3A_151, %scan3A_150 : i32
      %dma_wait3A_153 = arith.constant 0 : i32
      %dma_wait3A_154 = arith.constant 0 : i32
      %dma_wait3A_155 = arith.constant 0 : i32
      %dma_wait3A_156 = arith.constant 0 : i32
      %dma_wait3A_157 = arith.constant 0 : i32
      %dma_wait3A_158 = tpu.memref_slice %arg8[%dma_wait3A_155, %dma_wait3A_156, %dma_wait3A_157] : memref<2x128x64xbf16, #tpu.memory_space<vmem>> -> memref<1x128x64xbf16, #tpu.memory_space<vmem>>
      %dma_wait3A_159 = tpu.memref_squeeze %dma_wait3A_158 : memref<1x128x64xbf16, #tpu.memory_space<vmem>> -> memref<128x64xbf16, #tpu.memory_space<vmem>>
      %dma_wait3A_160 = arith.constant 0 : i32
      %dma_wait3A_161 = tpu.memref_slice %arg7[%dma_wait3A_153, %dma_wait3A_154, %dma_wait3A_160] : memref<2x2x128xi32, #tpu.memory_space<vmem>> -> memref<1x1x128xi32, #tpu.memory_space<vmem>>
      %dma_wait3A_162 = tpu.memref_squeeze %dma_wait3A_161 : memref<1x1x128xi32, #tpu.memory_space<vmem>> -> memref<128xi32, #tpu.memory_space<vmem>>
      %dma_wait3A_163 = arith.constant 0 : i32
      %dma_wait3A_164 = arith.constant 0 : i32
      %dma_wait3A_165 = tpu.memref_slice %arg2[%dma_wait3A_163, %dma_wait3A_164] : memref<50000x64xbf16, #tpu.memory_space<hbm>> -> memref<50000x64xbf16, #tpu.memory_space<hbm>>
      tpu.wait_indirect_dma semaphore(%arg11 : memref<!tpu.dma_semaphore, #tpu.memory_space<semaphore_mem>>) src(%dma_wait3A_165 : memref<50000x64xbf16, #tpu.memory_space<hbm>>) dst(%dma_wait3A_159 : memref<128x64xbf16, #tpu.memory_space<vmem>>)
      %add3A_166 = arith.constant 1 : i32
      %add3A_167 = arith.addi %mul3A_152, %add3A_166 : i32
      %add3A_168 = arith.addi %add3A, %add3A_167 : i32
      %dma_wait3A_169 = arith.constant 1 : i32
      %dma_wait3A_170 = arith.constant 0 : i32
      %dma_wait3A_171 = arith.constant 0 : i32
      %dma_wait3A_172 = tpu.memref_slice %arg7[%dma_wait3A_169, %dma_wait3A_170, %dma_wait3A_171] : memref<2x2x128xi32, #tpu.memory_space<vmem>> -> memref<1x2x128xi32, #tpu.memory_space<vmem>>
      %dma_wait3A_173 = tpu.memref_squeeze %dma_wait3A_172 : memref<1x2x128xi32, #tpu.memory_space<vmem>> -> memref<2x128xi32, #tpu.memory_space<vmem>>
      %dma_wait3A_174 = arith.constant 0 : i32
      %dma_wait3A_175 = arith.constant 0 : i32
      %dma_wait3A_176 = tpu.memref_slice %arg3[%add3A_168, %dma_wait3A_174, %dma_wait3A_175] : memref<6272x2x128xi32, #tpu.memory_space<hbm>> -> memref<1x2x128xi32, #tpu.memory_space<hbm>>
      %dma_wait3A_177 = tpu.memref_squeeze %dma_wait3A_176 : memref<1x2x128xi32, #tpu.memory_space<hbm>> -> memref<2x128xi32, #tpu.memory_space<hbm>>
      %dma_wait3A_178 = arith.constant 0 : i32
      %dma_wait3A_179 = arith.constant 0 : i32
      %dma_wait3A_180 = tpu.memref_slice %arg7[%dma_wait3A_169, %dma_wait3A_178, %dma_wait3A_179] : memref<2x2x128xi32, #tpu.memory_space<vmem>> -> memref<1x2x128xi32, #tpu.memory_space<vmem>>
      %dma_wait3A_181 = tpu.memref_squeeze %dma_wait3A_180 : memref<1x2x128xi32, #tpu.memory_space<vmem>> -> memref<2x128xi32, #tpu.memory_space<vmem>>
      %dma_wait3A_182 = arith.constant 0 : i32
      %dma_wait3A_183 = arith.constant 0 : i32
      %dma_wait3A_184 = tpu.memref_slice %arg3[%add3A_168, %dma_wait3A_182, %dma_wait3A_183] : memref<6272x2x128xi32, #tpu.memory_space<hbm>> -> memref<1x2x128xi32, #tpu.memory_space<hbm>>
      %dma_wait3A_185 = tpu.memref_squeeze %dma_wait3A_184 : memref<1x2x128xi32, #tpu.memory_space<hbm>> -> memref<2x128xi32, #tpu.memory_space<hbm>>
      tpu.wait_dma2 semaphore(%arg10 : memref<!tpu.dma_semaphore, #tpu.memory_space<semaphore_mem>>) src(%dma_wait3A_185 : memref<2x128xi32, #tpu.memory_space<hbm>>) dst(%dma_wait3A_181 : memref<2x128xi32, #tpu.memory_space<vmem>>)
      %dma_start3A_186 = arith.constant 1 : i32
      %dma_start3A_187 = arith.constant 0 : i32
      %dma_start3A_188 = arith.constant 1 : i32
      %dma_start3A_189 = arith.constant 0 : i32
      %dma_start3A_190 = arith.constant 0 : i32
      %dma_start3A_191 = tpu.memref_slice %arg8[%dma_start3A_188, %dma_start3A_189, %dma_start3A_190] : memref<2x128x64xbf16, #tpu.memory_space<vmem>> -> memref<1x128x64xbf16, #tpu.memory_space<vmem>>
      %dma_start3A_192 = tpu.memref_squeeze %dma_start3A_191 : memref<1x128x64xbf16, #tpu.memory_space<vmem>> -> memref<128x64xbf16, #tpu.memory_space<vmem>>
      %dma_start3A_193 = arith.constant 0 : i32
      %dma_start3A_194 = tpu.memref_slice %arg7[%dma_start3A_186, %dma_start3A_187, %dma_start3A_193] : memref<2x2x128xi32, #tpu.memory_space<vmem>> -> memref<1x1x128xi32, #tpu.memory_space<vmem>>
      %dma_start3A_195 = tpu.memref_squeeze %dma_start3A_194 : memref<1x1x128xi32, #tpu.memory_space<vmem>> -> memref<128xi32, #tpu.memory_space<vmem>>
      %dma_start3A_196 = arith.constant 0 : i32
      %dma_start3A_197 = arith.constant 0 : i32
      %dma_start3A_198 = tpu.memref_slice %arg2[%dma_start3A_196, %dma_start3A_197] : memref<50000x64xbf16, #tpu.memory_space<hbm>> -> memref<50000x64xbf16, #tpu.memory_space<hbm>>
      tpu.enqueue_indirect_dma source(%dma_start3A_198 : memref<50000x64xbf16, #tpu.memory_space<hbm>>) target(%dma_start3A_192 : memref<128x64xbf16, #tpu.memory_space<vmem>>) offsets(%dma_start3A_195 : memref<128xi32, #tpu.memory_space<vmem>>) semaphore(%arg12 : memref<!tpu.dma_semaphore, #tpu.memory_space<semaphore_mem>>)
      %run_scoped3A_199 = arith.constant 0 : i32
      %run_scoped3A_200 = arith.constant 0 : i32
      %run_scoped3A_201 = arith.constant 1 : i32
      "tpu.region"() ({
        %run_scoped3A_295 = tpu.sem_alloc : memref<!tpu.dma_semaphore, #tpu.memory_space<semaphore_mem>>
        %dma_start3A_296 = arith.constant 0 : i32
        %dma_start3A_297 = arith.constant 0 : i32
        %dma_start3A_298 = tpu.memref_slice %arg8[%run_scoped3A_199, %dma_start3A_296, %dma_start3A_297] : memref<2x128x64xbf16, #tpu.memory_space<vmem>> -> memref<1x128x64xbf16, #tpu.memory_space<vmem>>
        %dma_start3A_299 = tpu.memref_squeeze %dma_start3A_298 : memref<1x128x64xbf16, #tpu.memory_space<vmem>> -> memref<128x64xbf16, #tpu.memory_space<vmem>>
        %dma_start3A_300 = arith.constant 0 : i32
        %dma_start3A_301 = tpu.memref_slice %arg7[%run_scoped3A_200, %run_scoped3A_201, %dma_start3A_300] : memref<2x2x128xi32, #tpu.memory_space<vmem>> -> memref<1x1x128xi32, #tpu.memory_space<vmem>>
        %dma_start3A_302 = tpu.memref_squeeze %dma_start3A_301 : memref<1x1x128xi32, #tpu.memory_space<vmem>> -> memref<128xi32, #tpu.memory_space<vmem>>
        %dma_start3A_303 = arith.constant 0 : i32
        %dma_start3A_304 = arith.constant 0 : i32
        %dma_start3A_305 = tpu.memref_slice %arg6[%dma_start3A_303, %dma_start3A_304] : memref<50176x64xbf16, #tpu.memory_space<vmem_shared>> -> memref<50176x64xbf16, #tpu.memory_space<vmem_shared>>
        tpu.enqueue_indirect_dma source(%dma_start3A_299 : memref<128x64xbf16, #tpu.memory_space<vmem>>) target(%dma_start3A_305 : memref<50176x64xbf16, #tpu.memory_space<vmem_shared>>) offsets(%dma_start3A_302 : memref<128xi32, #tpu.memory_space<vmem>>) semaphore(%run_scoped3A_295 : memref<!tpu.dma_semaphore, #tpu.memory_space<semaphore_mem>>) {add = true}
        %dma_wait3A_306 = arith.constant 0 : i32
        %dma_wait3A_307 = arith.constant 0 : i32
        %dma_wait3A_308 = tpu.memref_slice %arg8[%run_scoped3A_199, %dma_wait3A_306, %dma_wait3A_307] : memref<2x128x64xbf16, #tpu.memory_space<vmem>> -> memref<1x128x64xbf16, #tpu.memory_space<vmem>>
        %dma_wait3A_309 = tpu.memref_squeeze %dma_wait3A_308 : memref<1x128x64xbf16, #tpu.memory_space<vmem>> -> memref<128x64xbf16, #tpu.memory_space<vmem>>
        %dma_wait3A_310 = arith.constant 0 : i32
        %dma_wait3A_311 = tpu.memref_slice %arg7[%run_scoped3A_200, %run_scoped3A_201, %dma_wait3A_310] : memref<2x2x128xi32, #tpu.memory_space<vmem>> -> memref<1x1x128xi32, #tpu.memory_space<vmem>>
        %dma_wait3A_312 = tpu.memref_squeeze %dma_wait3A_311 : memref<1x1x128xi32, #tpu.memory_space<vmem>> -> memref<128xi32, #tpu.memory_space<vmem>>
        %dma_wait3A_313 = arith.constant 0 : i32
        %dma_wait3A_314 = arith.constant 0 : i32
        %dma_wait3A_315 = tpu.memref_slice %arg6[%dma_wait3A_313, %dma_wait3A_314] : memref<50176x64xbf16, #tpu.memory_space<vmem_shared>> -> memref<50176x64xbf16, #tpu.memory_space<vmem_shared>>
        tpu.wait_indirect_dma semaphore(%run_scoped3A_295 : memref<!tpu.dma_semaphore, #tpu.memory_space<semaphore_mem>>) src(%dma_wait3A_309 : memref<128x64xbf16, #tpu.memory_space<vmem>>) dst(%dma_wait3A_315 : memref<50176x64xbf16, #tpu.memory_space<vmem_shared>>)
        tpu.yield
      }) : () -> ()
      %add3A_202 = arith.constant 2 : i32
      %add3A_203 = arith.addi %mul3A_152, %add3A_202 : i32
      %add3A_204 = arith.addi %add3A, %add3A_203 : i32
      %dma_start3A_205 = arith.constant 0 : i32
      %dma_start3A_206 = arith.constant 0 : i32
      %dma_start3A_207 = arith.constant 0 : i32
      %dma_start3A_208 = tpu.memref_slice %arg7[%dma_start3A_205, %dma_start3A_206, %dma_start3A_207] : memref<2x2x128xi32, #tpu.memory_space<vmem>> -> memref<1x2x128xi32, #tpu.memory_space<vmem>>
      %dma_start3A_209 = tpu.memref_squeeze %dma_start3A_208 : memref<1x2x128xi32, #tpu.memory_space<vmem>> -> memref<2x128xi32, #tpu.memory_space<vmem>>
      %dma_start3A_210 = arith.constant 0 : i32
      %dma_start3A_211 = arith.constant 0 : i32
      %dma_start3A_212 = tpu.memref_slice %arg3[%add3A_204, %dma_start3A_210, %dma_start3A_211] : memref<6272x2x128xi32, #tpu.memory_space<hbm>> -> memref<1x2x128xi32, #tpu.memory_space<hbm>>
      %dma_start3A_213 = tpu.memref_squeeze %dma_start3A_212 : memref<1x2x128xi32, #tpu.memory_space<hbm>> -> memref<2x128xi32, #tpu.memory_space<hbm>>
      %dma_start3A_214 = arith.constant 0 : i32
      %dma_start3A_215 = arith.constant 0 : i32
      %dma_start3A_216 = tpu.memref_slice %arg7[%dma_start3A_205, %dma_start3A_214, %dma_start3A_215] : memref<2x2x128xi32, #tpu.memory_space<vmem>> -> memref<1x2x128xi32, #tpu.memory_space<vmem>>
      %dma_start3A_217 = tpu.memref_squeeze %dma_start3A_216 : memref<1x2x128xi32, #tpu.memory_space<vmem>> -> memref<2x128xi32, #tpu.memory_space<vmem>>
      %dma_start3A_218 = arith.constant 0 : i32
      %dma_start3A_219 = arith.constant 0 : i32
      %dma_start3A_220 = tpu.memref_slice %arg3[%add3A_204, %dma_start3A_218, %dma_start3A_219] : memref<6272x2x128xi32, #tpu.memory_space<hbm>> -> memref<1x2x128xi32, #tpu.memory_space<hbm>>
      %dma_start3A_221 = tpu.memref_squeeze %dma_start3A_220 : memref<1x2x128xi32, #tpu.memory_space<hbm>> -> memref<2x128xi32, #tpu.memory_space<hbm>>
      tpu.enqueue_dma source(%dma_start3A_221 : memref<2x128xi32, #tpu.memory_space<hbm>>) target(%dma_start3A_217 : memref<2x128xi32, #tpu.memory_space<vmem>>) target_semaphore(%arg9 : memref<!tpu.dma_semaphore, #tpu.memory_space<semaphore_mem>>)
      %mul3A_222 = arith.constant 2 : i32
      %mul3A_223 = arith.muli %mul3A_222, %scan3A_150 : i32
      %add3A_224 = arith.constant 1 : i32
      %add3A_225 = arith.addi %mul3A_223, %add3A_224 : i32
      %dma_wait3A_226 = arith.constant 1 : i32
      %dma_wait3A_227 = arith.constant 0 : i32
      %dma_wait3A_228 = arith.constant 1 : i32
      %dma_wait3A_229 = arith.constant 0 : i32
      %dma_wait3A_230 = arith.constant 0 : i32
      %dma_wait3A_231 = tpu.memref_slice %arg8[%dma_wait3A_228, %dma_wait3A_229, %dma_wait3A_230] : memref<2x128x64xbf16, #tpu.memory_space<vmem>> -> memref<1x128x64xbf16, #tpu.memory_space<vmem>>
      %dma_wait3A_232 = tpu.memref_squeeze %dma_wait3A_231 : memref<1x128x64xbf16, #tpu.memory_space<vmem>> -> memref<128x64xbf16, #tpu.memory_space<vmem>>
      %dma_wait3A_233 = arith.constant 0 : i32
      %dma_wait3A_234 = tpu.memref_slice %arg7[%dma_wait3A_226, %dma_wait3A_227, %dma_wait3A_233] : memref<2x2x128xi32, #tpu.memory_space<vmem>> -> memref<1x1x128xi32, #tpu.memory_space<vmem>>
      %dma_wait3A_235 = tpu.memref_squeeze %dma_wait3A_234 : memref<1x1x128xi32, #tpu.memory_space<vmem>> -> memref<128xi32, #tpu.memory_space<vmem>>
      %dma_wait3A_236 = arith.constant 0 : i32
      %dma_wait3A_237 = arith.constant 0 : i32
      %dma_wait3A_238 = tpu.memref_slice %arg2[%dma_wait3A_236, %dma_wait3A_237] : memref<50000x64xbf16, #tpu.memory_space<hbm>> -> memref<50000x64xbf16, #tpu.memory_space<hbm>>
      tpu.wait_indirect_dma semaphore(%arg12 : memref<!tpu.dma_semaphore, #tpu.memory_space<semaphore_mem>>) src(%dma_wait3A_238 : memref<50000x64xbf16, #tpu.memory_space<hbm>>) dst(%dma_wait3A_232 : memref<128x64xbf16, #tpu.memory_space<vmem>>)
      %add3A_239 = arith.constant 1 : i32
      %add3A_240 = arith.addi %add3A_225, %add3A_239 : i32
      %add3A_241 = arith.addi %add3A, %add3A_240 : i32
      %dma_wait3A_242 = arith.constant 0 : i32
      %dma_wait3A_243 = arith.constant 0 : i32
      %dma_wait3A_244 = arith.constant 0 : i32
      %dma_wait3A_245 = tpu.memref_slice %arg7[%dma_wait3A_242, %dma_wait3A_243, %dma_wait3A_244] : memref<2x2x128xi32, #tpu.memory_space<vmem>> -> memref<1x2x128xi32, #tpu.memory_space<vmem>>
      %dma_wait3A_246 = tpu.memref_squeeze %dma_wait3A_245 : memref<1x2x128xi32, #tpu.memory_space<vmem>> -> memref<2x128xi32, #tpu.memory_space<vmem>>
      %dma_wait3A_247 = arith.constant 0 : i32
      %dma_wait3A_248 = arith.constant 0 : i32
      %dma_wait3A_249 = tpu.memref_slice %arg3[%add3A_241, %dma_wait3A_247, %dma_wait3A_248] : memref<6272x2x128xi32, #tpu.memory_space<hbm>> -> memref<1x2x128xi32, #tpu.memory_space<hbm>>
      %dma_wait3A_250 = tpu.memref_squeeze %dma_wait3A_249 : memref<1x2x128xi32, #tpu.memory_space<hbm>> -> memref<2x128xi32, #tpu.memory_space<hbm>>
      %dma_wait3A_251 = arith.constant 0 : i32
      %dma_wait3A_252 = arith.constant 0 : i32
      %dma_wait3A_253 = tpu.memref_slice %arg7[%dma_wait3A_242, %dma_wait3A_251, %dma_wait3A_252] : memref<2x2x128xi32, #tpu.memory_space<vmem>> -> memref<1x2x128xi32, #tpu.memory_space<vmem>>
      %dma_wait3A_254 = tpu.memref_squeeze %dma_wait3A_253 : memref<1x2x128xi32, #tpu.memory_space<vmem>> -> memref<2x128xi32, #tpu.memory_space<vmem>>
      %dma_wait3A_255 = arith.constant 0 : i32
      %dma_wait3A_256 = arith.constant 0 : i32
      %dma_wait3A_257 = tpu.memref_slice %arg3[%add3A_241, %dma_wait3A_255, %dma_wait3A_256] : memref<6272x2x128xi32, #tpu.memory_space<hbm>> -> memref<1x2x128xi32, #tpu.memory_space<hbm>>
      %dma_wait3A_258 = tpu.memref_squeeze %dma_wait3A_257 : memref<1x2x128xi32, #tpu.memory_space<hbm>> -> memref<2x128xi32, #tpu.memory_space<hbm>>
      tpu.wait_dma2 semaphore(%arg9 : memref<!tpu.dma_semaphore, #tpu.memory_space<semaphore_mem>>) src(%dma_wait3A_258 : memref<2x128xi32, #tpu.memory_space<hbm>>) dst(%dma_wait3A_254 : memref<2x128xi32, #tpu.memory_space<vmem>>)
      %dma_start3A_259 = arith.constant 0 : i32
      %dma_start3A_260 = arith.constant 0 : i32
      %dma_start3A_261 = arith.constant 0 : i32
      %dma_start3A_262 = arith.constant 0 : i32
      %dma_start3A_263 = arith.constant 0 : i32
      %dma_start3A_264 = tpu.memref_slice %arg8[%dma_start3A_261, %dma_start3A_262, %dma_start3A_263] : memref<2x128x64xbf16, #tpu.memory_space<vmem>> -> memref<1x128x64xbf16, #tpu.memory_space<vmem>>
      %dma_start3A_265 = tpu.memref_squeeze %dma_start3A_264 : memref<1x128x64xbf16, #tpu.memory_space<vmem>> -> memref<128x64xbf16, #tpu.memory_space<vmem>>
      %dma_start3A_266 = arith.constant 0 : i32
      %dma_start3A_267 = tpu.memref_slice %arg7[%dma_start3A_259, %dma_start3A_260, %dma_start3A_266] : memref<2x2x128xi32, #tpu.memory_space<vmem>> -> memref<1x1x128xi32, #tpu.memory_space<vmem>>
      %dma_start3A_268 = tpu.memref_squeeze %dma_start3A_267 : memref<1x1x128xi32, #tpu.memory_space<vmem>> -> memref<128xi32, #tpu.memory_space<vmem>>
      %dma_start3A_269 = arith.constant 0 : i32
      %dma_start3A_270 = arith.constant 0 : i32
      %dma_start3A_271 = tpu.memref_slice %arg2[%dma_start3A_269, %dma_start3A_270] : memref<50000x64xbf16, #tpu.memory_space<hbm>> -> memref<50000x64xbf16, #tpu.memory_space<hbm>>
      tpu.enqueue_indirect_dma source(%dma_start3A_271 : memref<50000x64xbf16, #tpu.memory_space<hbm>>) target(%dma_start3A_265 : memref<128x64xbf16, #tpu.memory_space<vmem>>) offsets(%dma_start3A_268 : memref<128xi32, #tpu.memory_space<vmem>>) semaphore(%arg11 : memref<!tpu.dma_semaphore, #tpu.memory_space<semaphore_mem>>)
      %run_scoped3A_272 = arith.constant 1 : i32
      %run_scoped3A_273 = arith.constant 1 : i32
      %run_scoped3A_274 = arith.constant 1 : i32
      "tpu.region"() ({
        %run_scoped3A_295 = tpu.sem_alloc : memref<!tpu.dma_semaphore, #tpu.memory_space<semaphore_mem>>
        %dma_start3A_296 = arith.constant 0 : i32
        %dma_start3A_297 = arith.constant 0 : i32
        %dma_start3A_298 = tpu.memref_slice %arg8[%run_scoped3A_272, %dma_start3A_296, %dma_start3A_297] : memref<2x128x64xbf16, #tpu.memory_space<vmem>> -> memref<1x128x64xbf16, #tpu.memory_space<vmem>>
        %dma_start3A_299 = tpu.memref_squeeze %dma_start3A_298 : memref<1x128x64xbf16, #tpu.memory_space<vmem>> -> memref<128x64xbf16, #tpu.memory_space<vmem>>
        %dma_start3A_300 = arith.constant 0 : i32
        %dma_start3A_301 = tpu.memref_slice %arg7[%run_scoped3A_273, %run_scoped3A_274, %dma_start3A_300] : memref<2x2x128xi32, #tpu.memory_space<vmem>> -> memref<1x1x128xi32, #tpu.memory_space<vmem>>
        %dma_start3A_302 = tpu.memref_squeeze %dma_start3A_301 : memref<1x1x128xi32, #tpu.memory_space<vmem>> -> memref<128xi32, #tpu.memory_space<vmem>>
        %dma_start3A_303 = arith.constant 0 : i32
        %dma_start3A_304 = arith.constant 0 : i32
        %dma_start3A_305 = tpu.memref_slice %arg6[%dma_start3A_303, %dma_start3A_304] : memref<50176x64xbf16, #tpu.memory_space<vmem_shared>> -> memref<50176x64xbf16, #tpu.memory_space<vmem_shared>>
        tpu.enqueue_indirect_dma source(%dma_start3A_299 : memref<128x64xbf16, #tpu.memory_space<vmem>>) target(%dma_start3A_305 : memref<50176x64xbf16, #tpu.memory_space<vmem_shared>>) offsets(%dma_start3A_302 : memref<128xi32, #tpu.memory_space<vmem>>) semaphore(%run_scoped3A_295 : memref<!tpu.dma_semaphore, #tpu.memory_space<semaphore_mem>>) {add = true}
        %dma_wait3A_306 = arith.constant 0 : i32
        %dma_wait3A_307 = arith.constant 0 : i32
        %dma_wait3A_308 = tpu.memref_slice %arg8[%run_scoped3A_272, %dma_wait3A_306, %dma_wait3A_307] : memref<2x128x64xbf16, #tpu.memory_space<vmem>> -> memref<1x128x64xbf16, #tpu.memory_space<vmem>>
        %dma_wait3A_309 = tpu.memref_squeeze %dma_wait3A_308 : memref<1x128x64xbf16, #tpu.memory_space<vmem>> -> memref<128x64xbf16, #tpu.memory_space<vmem>>
        %dma_wait3A_310 = arith.constant 0 : i32
        %dma_wait3A_311 = tpu.memref_slice %arg7[%run_scoped3A_273, %run_scoped3A_274, %dma_wait3A_310] : memref<2x2x128xi32, #tpu.memory_space<vmem>> -> memref<1x1x128xi32, #tpu.memory_space<vmem>>
        %dma_wait3A_312 = tpu.memref_squeeze %dma_wait3A_311 : memref<1x1x128xi32, #tpu.memory_space<vmem>> -> memref<128xi32, #tpu.memory_space<vmem>>
        %dma_wait3A_313 = arith.constant 0 : i32
        %dma_wait3A_314 = arith.constant 0 : i32
        %dma_wait3A_315 = tpu.memref_slice %arg6[%dma_wait3A_313, %dma_wait3A_314] : memref<50176x64xbf16, #tpu.memory_space<vmem_shared>> -> memref<50176x64xbf16, #tpu.memory_space<vmem_shared>>
        tpu.wait_indirect_dma semaphore(%run_scoped3A_295 : memref<!tpu.dma_semaphore, #tpu.memory_space<semaphore_mem>>) src(%dma_wait3A_309 : memref<128x64xbf16, #tpu.memory_space<vmem>>) dst(%dma_wait3A_315 : memref<50176x64xbf16, #tpu.memory_space<vmem_shared>>)
        tpu.yield
      }) : () -> ()
      %add3A_275 = arith.constant 2 : i32
      %add3A_276 = arith.addi %add3A_225, %add3A_275 : i32
      %add3A_277 = arith.addi %add3A, %add3A_276 : i32
      %dma_start3A_278 = arith.constant 1 : i32
      %dma_start3A_279 = arith.constant 0 : i32
      %dma_start3A_280 = arith.constant 0 : i32
      %dma_start3A_281 = tpu.memref_slice %arg7[%dma_start3A_278, %dma_start3A_279, %dma_start3A_280] : memref<2x2x128xi32, #tpu.memory_space<vmem>> -> memref<1x2x128xi32, #tpu.memory_space<vmem>>
      %dma_start3A_282 = tpu.memref_squeeze %dma_start3A_281 : memref<1x2x128xi32, #tpu.memory_space<vmem>> -> memref<2x128xi32, #tpu.memory_space<vmem>>
      %dma_start3A_283 = arith.constant 0 : i32
      %dma_start3A_284 = arith.constant 0 : i32
      %dma_start3A_285 = tpu.memref_slice %arg3[%add3A_277, %dma_start3A_283, %dma_start3A_284] : memref<6272x2x128xi32, #tpu.memory_space<hbm>> -> memref<1x2x128xi32, #tpu.memory_space<hbm>>
      %dma_start3A_286 = tpu.memref_squeeze %dma_start3A_285 : memref<1x2x128xi32, #tpu.memory_space<hbm>> -> memref<2x128xi32, #tpu.memory_space<hbm>>
      %dma_start3A_287 = arith.constant 0 : i32
      %dma_start3A_288 = arith.constant 0 : i32
      %dma_start3A_289 = tpu.memref_slice %arg7[%dma_start3A_278, %dma_start3A_287, %dma_start3A_288] : memref<2x2x128xi32, #tpu.memory_space<vmem>> -> memref<1x2x128xi32, #tpu.memory_space<vmem>>
      %dma_start3A_290 = tpu.memref_squeeze %dma_start3A_289 : memref<1x2x128xi32, #tpu.memory_space<vmem>> -> memref<2x128xi32, #tpu.memory_space<vmem>>
      %dma_start3A_291 = arith.constant 0 : i32
      %dma_start3A_292 = arith.constant 0 : i32
      %dma_start3A_293 = tpu.memref_slice %arg3[%add3A_277, %dma_start3A_291, %dma_start3A_292] : memref<6272x2x128xi32, #tpu.memory_space<hbm>> -> memref<1x2x128xi32, #tpu.memory_space<hbm>>
      %dma_start3A_294 = tpu.memref_squeeze %dma_start3A_293 : memref<1x2x128xi32, #tpu.memory_space<hbm>> -> memref<2x128xi32, #tpu.memory_space<hbm>>
      tpu.enqueue_dma source(%dma_start3A_294 : memref<2x128xi32, #tpu.memory_space<hbm>>) target(%dma_start3A_290 : memref<2x128xi32, #tpu.memory_space<vmem>>) target_semaphore(%arg10 : memref<!tpu.dma_semaphore, #tpu.memory_space<semaphore_mem>>)
    }
    %scan3A_77 = arith.constant 97 : i32
    %dma_wait3A_78 = arith.constant 0 : i32
    %dma_wait3A_79 = arith.constant 0 : i32
    %dma_wait3A_80 = arith.constant 0 : i32
    %dma_wait3A_81 = arith.constant 0 : i32
    %dma_wait3A_82 = arith.constant 0 : i32
    %dma_wait3A_83 = tpu.memref_slice %arg8[%dma_wait3A_80, %dma_wait3A_81, %dma_wait3A_82] : memref<2x128x64xbf16, #tpu.memory_space<vmem>> -> memref<1x128x64xbf16, #tpu.memory_space<vmem>>
    %dma_wait3A_84 = tpu.memref_squeeze %dma_wait3A_83 : memref<1x128x64xbf16, #tpu.memory_space<vmem>> -> memref<128x64xbf16, #tpu.memory_space<vmem>>
    %dma_wait3A_85 = arith.constant 0 : i32
    %dma_wait3A_86 = tpu.memref_slice %arg7[%dma_wait3A_78, %dma_wait3A_79, %dma_wait3A_85] : memref<2x2x128xi32, #tpu.memory_space<vmem>> -> memref<1x1x128xi32, #tpu.memory_space<vmem>>
    %dma_wait3A_87 = tpu.memref_squeeze %dma_wait3A_86 : memref<1x1x128xi32, #tpu.memory_space<vmem>> -> memref<128xi32, #tpu.memory_space<vmem>>
    %dma_wait3A_88 = arith.constant 0 : i32
    %dma_wait3A_89 = arith.constant 0 : i32
    %dma_wait3A_90 = tpu.memref_slice %arg2[%dma_wait3A_88, %dma_wait3A_89] : memref<50000x64xbf16, #tpu.memory_space<hbm>> -> memref<50000x64xbf16, #tpu.memory_space<hbm>>
    tpu.wait_indirect_dma semaphore(%arg11 : memref<!tpu.dma_semaphore, #tpu.memory_space<semaphore_mem>>) src(%dma_wait3A_90 : memref<50000x64xbf16, #tpu.memory_space<hbm>>) dst(%dma_wait3A_84 : memref<128x64xbf16, #tpu.memory_space<vmem>>)
    %add3A_91 = arith.constant 195 : i32
    %add3A_92 = arith.addi %add3A, %add3A_91 : i32
    %dma_wait3A_93 = arith.constant 1 : i32
    %dma_wait3A_94 = arith.constant 0 : i32
    %dma_wait3A_95 = arith.constant 0 : i32
    %dma_wait3A_96 = tpu.memref_slice %arg7[%dma_wait3A_93, %dma_wait3A_94, %dma_wait3A_95] : memref<2x2x128xi32, #tpu.memory_space<vmem>> -> memref<1x2x128xi32, #tpu.memory_space<vmem>>
    %dma_wait3A_97 = tpu.memref_squeeze %dma_wait3A_96 : memref<1x2x128xi32, #tpu.memory_space<vmem>> -> memref<2x128xi32, #tpu.memory_space<vmem>>
    %dma_wait3A_98 = arith.constant 0 : i32
    %dma_wait3A_99 = arith.constant 0 : i32
    %dma_wait3A_100 = tpu.memref_slice %arg3[%add3A_92, %dma_wait3A_98, %dma_wait3A_99] : memref<6272x2x128xi32, #tpu.memory_space<hbm>> -> memref<1x2x128xi32, #tpu.memory_space<hbm>>
    %dma_wait3A_101 = tpu.memref_squeeze %dma_wait3A_100 : memref<1x2x128xi32, #tpu.memory_space<hbm>> -> memref<2x128xi32, #tpu.memory_space<hbm>>
    %dma_wait3A_102 = arith.constant 0 : i32
    %dma_wait3A_103 = arith.constant 0 : i32
    %dma_wait3A_104 = tpu.memref_slice %arg7[%dma_wait3A_93, %dma_wait3A_102, %dma_wait3A_103] : memref<2x2x128xi32, #tpu.memory_space<vmem>> -> memref<1x2x128xi32, #tpu.memory_space<vmem>>
    %dma_wait3A_105 = tpu.memref_squeeze %dma_wait3A_104 : memref<1x2x128xi32, #tpu.memory_space<vmem>> -> memref<2x128xi32, #tpu.memory_space<vmem>>
    %dma_wait3A_106 = arith.constant 0 : i32
    %dma_wait3A_107 = arith.constant 0 : i32
    %dma_wait3A_108 = tpu.memref_slice %arg3[%add3A_92, %dma_wait3A_106, %dma_wait3A_107] : memref<6272x2x128xi32, #tpu.memory_space<hbm>> -> memref<1x2x128xi32, #tpu.memory_space<hbm>>
    %dma_wait3A_109 = tpu.memref_squeeze %dma_wait3A_108 : memref<1x2x128xi32, #tpu.memory_space<hbm>> -> memref<2x128xi32, #tpu.memory_space<hbm>>
    tpu.wait_dma2 semaphore(%arg10 : memref<!tpu.dma_semaphore, #tpu.memory_space<semaphore_mem>>) src(%dma_wait3A_109 : memref<2x128xi32, #tpu.memory_space<hbm>>) dst(%dma_wait3A_105 : memref<2x128xi32, #tpu.memory_space<vmem>>)
    %dma_start3A_110 = arith.constant 1 : i32
    %dma_start3A_111 = arith.constant 0 : i32
    %dma_start3A_112 = arith.constant 1 : i32
    %dma_start3A_113 = arith.constant 0 : i32
    %dma_start3A_114 = arith.constant 0 : i32
    %dma_start3A_115 = tpu.memref_slice %arg8[%dma_start3A_112, %dma_start3A_113, %dma_start3A_114] : memref<2x128x64xbf16, #tpu.memory_space<vmem>> -> memref<1x128x64xbf16, #tpu.memory_space<vmem>>
    %dma_start3A_116 = tpu.memref_squeeze %dma_start3A_115 : memref<1x128x64xbf16, #tpu.memory_space<vmem>> -> memref<128x64xbf16, #tpu.memory_space<vmem>>
    %dma_start3A_117 = arith.constant 0 : i32
    %dma_start3A_118 = tpu.memref_slice %arg7[%dma_start3A_110, %dma_start3A_111, %dma_start3A_117] : memref<2x2x128xi32, #tpu.memory_space<vmem>> -> memref<1x1x128xi32, #tpu.memory_space<vmem>>
    %dma_start3A_119 = tpu.memref_squeeze %dma_start3A_118 : memref<1x1x128xi32, #tpu.memory_space<vmem>> -> memref<128xi32, #tpu.memory_space<vmem>>
    %dma_start3A_120 = arith.constant 0 : i32
    %dma_start3A_121 = arith.constant 0 : i32
    %dma_start3A_122 = tpu.memref_slice %arg2[%dma_start3A_120, %dma_start3A_121] : memref<50000x64xbf16, #tpu.memory_space<hbm>> -> memref<50000x64xbf16, #tpu.memory_space<hbm>>
    tpu.enqueue_indirect_dma source(%dma_start3A_122 : memref<50000x64xbf16, #tpu.memory_space<hbm>>) target(%dma_start3A_116 : memref<128x64xbf16, #tpu.memory_space<vmem>>) offsets(%dma_start3A_119 : memref<128xi32, #tpu.memory_space<vmem>>) semaphore(%arg12 : memref<!tpu.dma_semaphore, #tpu.memory_space<semaphore_mem>>)
    %run_scoped3A = arith.constant 0 : i32
    %run_scoped3A_123 = arith.constant 0 : i32
    %run_scoped3A_124 = arith.constant 1 : i32
    "tpu.region"() ({
      %run_scoped3A_150 = tpu.sem_alloc : memref<!tpu.dma_semaphore, #tpu.memory_space<semaphore_mem>>
      %dma_start3A_151 = arith.constant 0 : i32
      %dma_start3A_152 = arith.constant 0 : i32
      %dma_start3A_153 = tpu.memref_slice %arg8[%run_scoped3A, %dma_start3A_151, %dma_start3A_152] : memref<2x128x64xbf16, #tpu.memory_space<vmem>> -> memref<1x128x64xbf16, #tpu.memory_space<vmem>>
      %dma_start3A_154 = tpu.memref_squeeze %dma_start3A_153 : memref<1x128x64xbf16, #tpu.memory_space<vmem>> -> memref<128x64xbf16, #tpu.memory_space<vmem>>
      %dma_start3A_155 = arith.constant 0 : i32
      %dma_start3A_156 = tpu.memref_slice %arg7[%run_scoped3A_123, %run_scoped3A_124, %dma_start3A_155] : memref<2x2x128xi32, #tpu.memory_space<vmem>> -> memref<1x1x128xi32, #tpu.memory_space<vmem>>
      %dma_start3A_157 = tpu.memref_squeeze %dma_start3A_156 : memref<1x1x128xi32, #tpu.memory_space<vmem>> -> memref<128xi32, #tpu.memory_space<vmem>>
      %dma_start3A_158 = arith.constant 0 : i32
      %dma_start3A_159 = arith.constant 0 : i32
      %dma_start3A_160 = tpu.memref_slice %arg6[%dma_start3A_158, %dma_start3A_159] : memref<50176x64xbf16, #tpu.memory_space<vmem_shared>> -> memref<50176x64xbf16, #tpu.memory_space<vmem_shared>>
      tpu.enqueue_indirect_dma source(%dma_start3A_154 : memref<128x64xbf16, #tpu.memory_space<vmem>>) target(%dma_start3A_160 : memref<50176x64xbf16, #tpu.memory_space<vmem_shared>>) offsets(%dma_start3A_157 : memref<128xi32, #tpu.memory_space<vmem>>) semaphore(%run_scoped3A_150 : memref<!tpu.dma_semaphore, #tpu.memory_space<semaphore_mem>>) {add = true}
      %dma_wait3A_161 = arith.constant 0 : i32
      %dma_wait3A_162 = arith.constant 0 : i32
      %dma_wait3A_163 = tpu.memref_slice %arg8[%run_scoped3A, %dma_wait3A_161, %dma_wait3A_162] : memref<2x128x64xbf16, #tpu.memory_space<vmem>> -> memref<1x128x64xbf16, #tpu.memory_space<vmem>>
      %dma_wait3A_164 = tpu.memref_squeeze %dma_wait3A_163 : memref<1x128x64xbf16, #tpu.memory_space<vmem>> -> memref<128x64xbf16, #tpu.memory_space<vmem>>
      %dma_wait3A_165 = arith.constant 0 : i32
      %dma_wait3A_166 = tpu.memref_slice %arg7[%run_scoped3A_123, %run_scoped3A_124, %dma_wait3A_165] : memref<2x2x128xi32, #tpu.memory_space<vmem>> -> memref<1x1x128xi32, #tpu.memory_space<vmem>>
      %dma_wait3A_167 = tpu.memref_squeeze %dma_wait3A_166 : memref<1x1x128xi32, #tpu.memory_space<vmem>> -> memref<128xi32, #tpu.memory_space<vmem>>
      %dma_wait3A_168 = arith.constant 0 : i32
      %dma_wait3A_169 = arith.constant 0 : i32
      %dma_wait3A_170 = tpu.memref_slice %arg6[%dma_wait3A_168, %dma_wait3A_169] : memref<50176x64xbf16, #tpu.memory_space<vmem_shared>> -> memref<50176x64xbf16, #tpu.memory_space<vmem_shared>>
      tpu.wait_indirect_dma semaphore(%run_scoped3A_150 : memref<!tpu.dma_semaphore, #tpu.memory_space<semaphore_mem>>) src(%dma_wait3A_164 : memref<128x64xbf16, #tpu.memory_space<vmem>>) dst(%dma_wait3A_170 : memref<50176x64xbf16, #tpu.memory_space<vmem_shared>>)
      tpu.yield
    }) : () -> ()
    %dma_wait3A_125 = arith.constant 1 : i32
    %dma_wait3A_126 = arith.constant 0 : i32
    %dma_wait3A_127 = arith.constant 1 : i32
    %dma_wait3A_128 = arith.constant 0 : i32
    %dma_wait3A_129 = arith.constant 0 : i32
    %dma_wait3A_130 = tpu.memref_slice %arg8[%dma_wait3A_127, %dma_wait3A_128, %dma_wait3A_129] : memref<2x128x64xbf16, #tpu.memory_space<vmem>> -> memref<1x128x64xbf16, #tpu.memory_space<vmem>>
    %dma_wait3A_131 = tpu.memref_squeeze %dma_wait3A_130 : memref<1x128x64xbf16, #tpu.memory_space<vmem>> -> memref<128x64xbf16, #tpu.memory_space<vmem>>
    %dma_wait3A_132 = arith.constant 0 : i32
    %dma_wait3A_133 = tpu.memref_slice %arg7[%dma_wait3A_125, %dma_wait3A_126, %dma_wait3A_132] : memref<2x2x128xi32, #tpu.memory_space<vmem>> -> memref<1x1x128xi32, #tpu.memory_space<vmem>>
    %dma_wait3A_134 = tpu.memref_squeeze %dma_wait3A_133 : memref<1x1x128xi32, #tpu.memory_space<vmem>> -> memref<128xi32, #tpu.memory_space<vmem>>
    %dma_wait3A_135 = arith.constant 0 : i32
    %dma_wait3A_136 = arith.constant 0 : i32
    %dma_wait3A_137 = tpu.memref_slice %arg2[%dma_wait3A_135, %dma_wait3A_136] : memref<50000x64xbf16, #tpu.memory_space<hbm>> -> memref<50000x64xbf16, #tpu.memory_space<hbm>>
    tpu.wait_indirect_dma semaphore(%arg12 : memref<!tpu.dma_semaphore, #tpu.memory_space<semaphore_mem>>) src(%dma_wait3A_137 : memref<50000x64xbf16, #tpu.memory_space<hbm>>) dst(%dma_wait3A_131 : memref<128x64xbf16, #tpu.memory_space<vmem>>)
    %run_scoped3A_138 = arith.constant 1 : i32
    %run_scoped3A_139 = arith.constant 1 : i32
    %run_scoped3A_140 = arith.constant 1 : i32
    "tpu.region"() ({
      %run_scoped3A_150 = tpu.sem_alloc : memref<!tpu.dma_semaphore, #tpu.memory_space<semaphore_mem>>
      %dma_start3A_151 = arith.constant 0 : i32
      %dma_start3A_152 = arith.constant 0 : i32
      %dma_start3A_153 = tpu.memref_slice %arg8[%run_scoped3A_138, %dma_start3A_151, %dma_start3A_152] : memref<2x128x64xbf16, #tpu.memory_space<vmem>> -> memref<1x128x64xbf16, #tpu.memory_space<vmem>>
      %dma_start3A_154 = tpu.memref_squeeze %dma_start3A_153 : memref<1x128x64xbf16, #tpu.memory_space<vmem>> -> memref<128x64xbf16, #tpu.memory_space<vmem>>
      %dma_start3A_155 = arith.constant 0 : i32
      %dma_start3A_156 = tpu.memref_slice %arg7[%run_scoped3A_139, %run_scoped3A_140, %dma_start3A_155] : memref<2x2x128xi32, #tpu.memory_space<vmem>> -> memref<1x1x128xi32, #tpu.memory_space<vmem>>
      %dma_start3A_157 = tpu.memref_squeeze %dma_start3A_156 : memref<1x1x128xi32, #tpu.memory_space<vmem>> -> memref<128xi32, #tpu.memory_space<vmem>>
      %dma_start3A_158 = arith.constant 0 : i32
      %dma_start3A_159 = arith.constant 0 : i32
      %dma_start3A_160 = tpu.memref_slice %arg6[%dma_start3A_158, %dma_start3A_159] : memref<50176x64xbf16, #tpu.memory_space<vmem_shared>> -> memref<50176x64xbf16, #tpu.memory_space<vmem_shared>>
      tpu.enqueue_indirect_dma source(%dma_start3A_154 : memref<128x64xbf16, #tpu.memory_space<vmem>>) target(%dma_start3A_160 : memref<50176x64xbf16, #tpu.memory_space<vmem_shared>>) offsets(%dma_start3A_157 : memref<128xi32, #tpu.memory_space<vmem>>) semaphore(%run_scoped3A_150 : memref<!tpu.dma_semaphore, #tpu.memory_space<semaphore_mem>>) {add = true}
      %dma_wait3A_161 = arith.constant 0 : i32
      %dma_wait3A_162 = arith.constant 0 : i32
      %dma_wait3A_163 = tpu.memref_slice %arg8[%run_scoped3A_138, %dma_wait3A_161, %dma_wait3A_162] : memref<2x128x64xbf16, #tpu.memory_space<vmem>> -> memref<1x128x64xbf16, #tpu.memory_space<vmem>>
      %dma_wait3A_164 = tpu.memref_squeeze %dma_wait3A_163 : memref<1x128x64xbf16, #tpu.memory_space<vmem>> -> memref<128x64xbf16, #tpu.memory_space<vmem>>
      %dma_wait3A_165 = arith.constant 0 : i32
      %dma_wait3A_166 = tpu.memref_slice %arg7[%run_scoped3A_139, %run_scoped3A_140, %dma_wait3A_165] : memref<2x2x128xi32, #tpu.memory_space<vmem>> -> memref<1x1x128xi32, #tpu.memory_space<vmem>>
      %dma_wait3A_167 = tpu.memref_squeeze %dma_wait3A_166 : memref<1x1x128xi32, #tpu.memory_space<vmem>> -> memref<128xi32, #tpu.memory_space<vmem>>
      %dma_wait3A_168 = arith.constant 0 : i32
      %dma_wait3A_169 = arith.constant 0 : i32
      %dma_wait3A_170 = tpu.memref_slice %arg6[%dma_wait3A_168, %dma_wait3A_169] : memref<50176x64xbf16, #tpu.memory_space<vmem_shared>> -> memref<50176x64xbf16, #tpu.memory_space<vmem_shared>>
      tpu.wait_indirect_dma semaphore(%run_scoped3A_150 : memref<!tpu.dma_semaphore, #tpu.memory_space<semaphore_mem>>) src(%dma_wait3A_164 : memref<128x64xbf16, #tpu.memory_space<vmem>>) dst(%dma_wait3A_170 : memref<50176x64xbf16, #tpu.memory_space<vmem_shared>>)
      tpu.yield
    }) : () -> ()
    %barrier3A_141 = arith.constant 0 : index
    tpu.barrier barrier_id(%barrier3A_141)
    %mul3A_142 = arith.constant 3136 : i32
    %mul3A_143 = arith.muli %arg1, %mul3A_142 : i32
    %lt3A = arith.constant 15 : i32
    %lt3A_144 = arith.cmpi slt, %arg1, %lt3A : i32
    %convert_element_type3A = arith.extui %lt3A_144 : i1 to i32
    %cond3A = arith.constant 0 : i32
    %cond3A_145 = arith.cmpi ne, %convert_element_type3A, %cond3A : i32
    scf.if %cond3A_145 {
      "tpu.region"() ({
        %run_scoped3A_150 = tpu.sem_alloc : memref<!tpu.dma_semaphore, #tpu.memory_space<semaphore_mem>>
        %dma_start3A_151 = arith.constant 0 : i32
        %dma_start3A_152 = tpu.memref_slice %arg5[%arg0, %mul3A_143, %dma_start3A_151] : memref<2x50000x64xbf16, #tpu.memory_space<hbm>> -> memref<1x3136x64xbf16, #tpu.memory_space<hbm>>
        %dma_start3A_153 = tpu.memref_squeeze %dma_start3A_152 : memref<1x3136x64xbf16, #tpu.memory_space<hbm>> -> memref<3136x64xbf16, #tpu.memory_space<hbm>>
        %dma_start3A_154 = arith.constant 0 : i32
        %dma_start3A_155 = tpu.memref_slice %arg6[%mul3A_143, %dma_start3A_154] : memref<50176x64xbf16, #tpu.memory_space<vmem_shared>> -> memref<3136x64xbf16, #tpu.memory_space<vmem_shared>>
        tpu.enqueue_dma source(%dma_start3A_155 : memref<3136x64xbf16, #tpu.memory_space<vmem_shared>>) target(%dma_start3A_153 : memref<3136x64xbf16, #tpu.memory_space<hbm>>) target_semaphore(%run_scoped3A_150 : memref<!tpu.dma_semaphore, #tpu.memory_space<semaphore_mem>>)
        %dma_wait3A_156 = arith.constant 0 : i32
        %dma_wait3A_157 = tpu.memref_slice %arg5[%arg0, %mul3A_143, %dma_wait3A_156] : memref<2x50000x64xbf16, #tpu.memory_space<hbm>> -> memref<1x3136x64xbf16, #tpu.memory_space<hbm>>
        %dma_wait3A_158 = tpu.memref_squeeze %dma_wait3A_157 : memref<1x3136x64xbf16, #tpu.memory_space<hbm>> -> memref<3136x64xbf16, #tpu.memory_space<hbm>>
        %dma_wait3A_159 = arith.constant 0 : i32
        %dma_wait3A_160 = tpu.memref_slice %arg6[%mul3A_143, %dma_wait3A_159] : memref<50176x64xbf16, #tpu.memory_space<vmem_shared>> -> memref<3136x64xbf16, #tpu.memory_space<vmem_shared>>
        tpu.wait_dma2 semaphore(%run_scoped3A_150 : memref<!tpu.dma_semaphore, #tpu.memory_space<semaphore_mem>>) src(%dma_wait3A_160 : memref<3136x64xbf16, #tpu.memory_space<vmem_shared>>) dst(%dma_wait3A_158 : memref<3136x64xbf16, #tpu.memory_space<hbm>>)
        tpu.yield
      }) : () -> ()
    } else {
    }
    %eq3A = arith.constant 15 : i32
    %eq3A_146 = arith.cmpi eq, %arg1, %eq3A : i32
    %convert_element_type3A_147 = arith.extui %eq3A_146 : i1 to i32
    %cond3A_148 = arith.constant 0 : i32
    %cond3A_149 = arith.cmpi ne, %convert_element_type3A_147, %cond3A_148 : i32
    scf.if %cond3A_149 {
      "tpu.region"() ({
        %run_scoped3A_150 = tpu.sem_alloc : memref<!tpu.dma_semaphore, #tpu.memory_space<semaphore_mem>>
        %dma_start3A_151 = arith.constant 0 : i32
        %dma_start3A_152 = tpu.memref_slice %arg5[%arg0, %mul3A_143, %dma_start3A_151] : memref<2x50000x64xbf16, #tpu.memory_space<hbm>> -> memref<1x2960x64xbf16, #tpu.memory_space<hbm>>
        %dma_start3A_153 = tpu.memref_squeeze %dma_start3A_152 : memref<1x2960x64xbf16, #tpu.memory_space<hbm>> -> memref<2960x64xbf16, #tpu.memory_space<hbm>>
        %dma_start3A_154 = arith.constant 0 : i32
        %dma_start3A_155 = tpu.memref_slice %arg6[%mul3A_143, %dma_start3A_154] : memref<50176x64xbf16, #tpu.memory_space<vmem_shared>> -> memref<2960x64xbf16, #tpu.memory_space<vmem_shared>>
        tpu.enqueue_dma source(%dma_start3A_155 : memref<2960x64xbf16, #tpu.memory_space<vmem_shared>>) target(%dma_start3A_153 : memref<2960x64xbf16, #tpu.memory_space<hbm>>) target_semaphore(%run_scoped3A_150 : memref<!tpu.dma_semaphore, #tpu.memory_space<semaphore_mem>>)
        %dma_wait3A_156 = arith.constant 0 : i32
        %dma_wait3A_157 = tpu.memref_slice %arg5[%arg0, %mul3A_143, %dma_wait3A_156] : memref<2x50000x64xbf16, #tpu.memory_space<hbm>> -> memref<1x2960x64xbf16, #tpu.memory_space<hbm>>
        %dma_wait3A_158 = tpu.memref_squeeze %dma_wait3A_157 : memref<1x2960x64xbf16, #tpu.memory_space<hbm>> -> memref<2960x64xbf16, #tpu.memory_space<hbm>>
        %dma_wait3A_159 = arith.constant 0 : i32
        %dma_wait3A_160 = tpu.memref_slice %arg6[%mul3A_143, %dma_wait3A_159] : memref<50176x64xbf16, #tpu.memory_space<vmem_shared>> -> memref<2960x64xbf16, #tpu.memory_space<vmem_shared>>
        tpu.wait_dma2 semaphore(%run_scoped3A_150 : memref<!tpu.dma_semaphore, #tpu.memory_space<semaphore_mem>>) src(%dma_wait3A_160 : memref<2960x64xbf16, #tpu.memory_space<vmem_shared>>) dst(%dma_wait3A_158 : memref<2960x64xbf16, #tpu.memory_space<hbm>>)
        tpu.yield
      }) : () -> ()
    } else {
    }
    return
  }
}

module attributes {stable_mosaic.version = 14 : i64} {
  func.func @_stage_in_body(%arg0: i32, %arg1: memref<5000x1xi32, #tpu.memory_space<vmem>>, %arg2: memref<5000x3xf32, #tpu.memory_space<vmem>>, %arg3: memref<16x64xf32, #tpu.memory_space<vmem>>, %arg4: memref<3x64xf32, #tpu.memory_space<vmem>>, %arg5: memref<1x64xf32, #tpu.memory_space<vmem>>, %arg6: memref<5000x64xf32, #tpu.memory_space<vmem>>, %arg7: memref<5000x64xbf16, #tpu.memory_space<vmem>>) attributes {dimension_semantics = [#tpu.dimension_semantics<arbitrary>], iteration_bounds = array<i64: 10>, scalar_prefetch = 0 : i64, scratch_operands = 0 : i64, tpu.core_type = #tpu.core_type<tc>, window_params = [{transform_indices = @transform_0, window_bounds = array<i64: 5000, 1>}, {transform_indices = @transform_1, window_bounds = array<i64: 5000, 3>}, {pipeline_mode = #tpu.pipeline_mode<synchronous>, transform_indices = @transform_2, window_bounds = array<i64: 16, 64>}, {pipeline_mode = #tpu.pipeline_mode<synchronous>, transform_indices = @transform_3, window_bounds = array<i64: 3, 64>}, {pipeline_mode = #tpu.pipeline_mode<synchronous>, transform_indices = @transform_4, window_bounds = array<i64: 1, 64>}, {transform_indices = @transform_5, window_bounds = array<i64: 5000, 64>}, {transform_indices = @transform_6, window_bounds = array<i64: 5000, 64>}]} {
    %get3A = arith.constant 0 : index
    %get3A_0 = arith.constant 0 : index
    %get3A_1 = vector.load %arg1[%get3A, %get3A_0] : memref<5000x1xi32, #tpu.memory_space<vmem>>, vector<5000x1xi32>
    %iota3A = tpu.iota {dimensions = array<i32: 1>} : vector<5000x16xi32>
    %eq3A = vector.broadcast %get3A_1 : vector<5000x1xi32> to vector<5000x16xi32>
    %eq3A_2 = arith.cmpi eq, %eq3A, %iota3A : vector<5000x16xi32>
    %convert_element_type3A = arith.extui %eq3A_2 : vector<5000x16xi1> to vector<5000x16xi32>
    %convert_element_type3A_3 = arith.sitofp %convert_element_type3A : vector<5000x16xi32> to vector<5000x16xf32>
    %get3A_4 = arith.constant 0 : index
    %get3A_5 = arith.constant 0 : index
    %get3A_6 = vector.load %arg3[%get3A_4, %get3A_5] : memref<16x64xf32, #tpu.memory_space<vmem>>, vector<16x64xf32>
    %dot_general3A = arith.constant dense<0.000000e+00> : vector<5000x64xf32>
    %dot_general3A_7 = tpu.matmul %convert_element_type3A_3, %get3A_6, %dot_general3A {dimension_numbers = #tpu.dot_dimension_numbers<[1], [0], [0], [1], [0, 0, 1, 1], [], []>, transpose_lhs_hint = false} : vector<5000x16xf32>, vector<16x64xf32>, vector<5000x64xf32> -> vector<5000x64xf32>
    %get3A_8 = arith.constant 0 : index
    %get3A_9 = arith.constant 0 : index
    %get3A_10 = vector.load %arg2[%get3A_8, %get3A_9] : memref<5000x3xf32, #tpu.memory_space<vmem>>, vector<5000x3xf32>
    %slice3A = vector.extract_strided_slice %get3A_10 {offsets = [0, 0], sizes = [5000, 1], strides = [1, 1]} : vector<5000x3xf32> to vector<5000x1xf32>
    %get3A_11 = arith.constant 0 : index
    %get3A_12 = arith.constant 0 : index
    %get3A_13 = vector.load %arg4[%get3A_11, %get3A_12] : memref<3x64xf32, #tpu.memory_space<vmem>>, vector<1x64xf32>
    %mul3A = vector.broadcast %slice3A : vector<5000x1xf32> to vector<5000x64xf32>
    %mul3A_14 = vector.broadcast %get3A_13 : vector<1x64xf32> to vector<5000x64xf32>
    %mul3A_15 = arith.mulf %mul3A, %mul3A_14 : vector<5000x64xf32>
    %add3A = arith.addf %dot_general3A_7, %mul3A_15 : vector<5000x64xf32>
    %slice3A_16 = vector.extract_strided_slice %get3A_10 {offsets = [0, 1], sizes = [5000, 1], strides = [1, 1]} : vector<5000x3xf32> to vector<5000x1xf32>
    %get3A_17 = arith.constant 1 : index
    %get3A_18 = arith.constant 0 : index
    %get3A_19 = vector.load %arg4[%get3A_17, %get3A_18] : memref<3x64xf32, #tpu.memory_space<vmem>>, vector<1x64xf32>
    %mul3A_20 = vector.broadcast %slice3A_16 : vector<5000x1xf32> to vector<5000x64xf32>
    %mul3A_21 = vector.broadcast %get3A_19 : vector<1x64xf32> to vector<5000x64xf32>
    %mul3A_22 = arith.mulf %mul3A_20, %mul3A_21 : vector<5000x64xf32>
    %add3A_23 = arith.addf %add3A, %mul3A_22 : vector<5000x64xf32>
    %slice3A_24 = vector.extract_strided_slice %get3A_10 {offsets = [0, 2], sizes = [5000, 1], strides = [1, 1]} : vector<5000x3xf32> to vector<5000x1xf32>
    %get3A_25 = arith.constant 2 : index
    %get3A_26 = arith.constant 0 : index
    %get3A_27 = vector.load %arg4[%get3A_25, %get3A_26] : memref<3x64xf32, #tpu.memory_space<vmem>>, vector<1x64xf32>
    %mul3A_28 = vector.broadcast %slice3A_24 : vector<5000x1xf32> to vector<5000x64xf32>
    %mul3A_29 = vector.broadcast %get3A_27 : vector<1x64xf32> to vector<5000x64xf32>
    %mul3A_30 = arith.mulf %mul3A_28, %mul3A_29 : vector<5000x64xf32>
    %add3A_31 = arith.addf %add3A_23, %mul3A_30 : vector<5000x64xf32>
    %get3A_32 = arith.constant 0 : index
    %get3A_33 = arith.constant 0 : index
    %get3A_34 = vector.load %arg5[%get3A_32, %get3A_33] : memref<1x64xf32, #tpu.memory_space<vmem>>, vector<1x64xf32>
    %add3A_35 = vector.broadcast %get3A_34 : vector<1x64xf32> to vector<5000x64xf32>
    %add3A_36 = arith.addf %add3A_31, %add3A_35 : vector<5000x64xf32>
    %max3A = arith.constant 0.000000e+00 : f32
    %max3A_37 = vector.broadcast %max3A : f32 to vector<5000x64xf32>
    %max3A_38 = arith.maximumf %add3A_36, %max3A_37 : vector<5000x64xf32>
    %swap3A = arith.constant 0 : index
    %swap3A_39 = arith.constant 0 : index
    %swap3A_40 = vector.load %arg6[%swap3A, %swap3A_39] : memref<5000x64xf32, #tpu.memory_space<vmem>>, vector<5000x64xf32>
    tpu.vector_store %arg6[%swap3A, %swap3A_39], %max3A_38 {strides = array<i32>} : memref<5000x64xf32, #tpu.memory_space<vmem>>, vector<5000x64xf32>,
    %convert_element_type3A_41 = arith.truncf %max3A_38 : vector<5000x64xf32> to vector<5000x64xbf16>
    %swap3A_42 = arith.constant 0 : index
    %swap3A_43 = arith.constant 0 : index
    %swap3A_44 = vector.load %arg7[%swap3A_42, %swap3A_43] : memref<5000x64xbf16, #tpu.memory_space<vmem>>, vector<5000x64xbf16>
    tpu.vector_store %arg7[%swap3A_42, %swap3A_43], %convert_element_type3A_41 {strides = array<i32>} : memref<5000x64xbf16, #tpu.memory_space<vmem>>, vector<5000x64xbf16>,
    return
  }
  func.func @transform_0(%arg0: i32) -> (i32, i32) {
    %c0_i32 = arith.constant 0 : i32
    %c0_i32_0 = arith.constant 0 : i32
    return %arg0, %c0_i32 : i32, i32
  }
  func.func @transform_1(%arg0: i32) -> (i32, i32) {
    %c0_i32 = arith.constant 0 : i32
    %c0_i32_0 = arith.constant 0 : i32
    return %arg0, %c0_i32 : i32, i32
  }
  func.func @transform_2(%arg0: i32) -> (i32, i32) {
    %c0_i32 = arith.constant 0 : i32
    %c0_i32_0 = arith.constant 0 : i32
    %c0_i32_1 = arith.constant 0 : i32
    return %c0_i32, %c0_i32_0 : i32, i32
  }
  func.func @transform_3(%arg0: i32) -> (i32, i32) {
    %c0_i32 = arith.constant 0 : i32
    %c0_i32_0 = arith.constant 0 : i32
    %c0_i32_1 = arith.constant 0 : i32
    return %c0_i32, %c0_i32_0 : i32, i32
  }
  func.func @transform_4(%arg0: i32) -> (i32, i32) {
    %c0_i32 = arith.constant 0 : i32
    %c0_i32_0 = arith.constant 0 : i32
    %c0_i32_1 = arith.constant 0 : i32
    return %c0_i32, %c0_i32_0 : i32, i32
  }
  func.func @transform_5(%arg0: i32) -> (i32, i32) {
    %c0_i32 = arith.constant 0 : i32
    %c0_i32_0 = arith.constant 0 : i32
    return %arg0, %c0_i32 : i32, i32
  }
  func.func @transform_6(%arg0: i32) -> (i32, i32) {
    %c0_i32 = arith.constant 0 : i32
    %c0_i32_0 = arith.constant 0 : i32
    return %arg0, %c0_i32 : i32, i32
  }
}

module attributes {stable_mosaic.version = 14 : i64} {
  func.func @_stage_mp_body(%arg0: i32, %arg1: memref<5000x64xf32, #tpu.memory_space<vmem>>, %arg2: memref<1x5000x64xbf16, #tpu.memory_space<vmem>>, %arg3: memref<1x5000x64xbf16, #tpu.memory_space<vmem>>, %arg4: memref<64x64xf32, #tpu.memory_space<vmem>>, %arg5: memref<64x64xf32, #tpu.memory_space<vmem>>, %arg6: memref<1x64xf32, #tpu.memory_space<vmem>>, %arg7: memref<5000x64xf32, #tpu.memory_space<vmem>>, %arg8: memref<5000x64xbf16, #tpu.memory_space<vmem>>) attributes {dimension_semantics = [#tpu.dimension_semantics<arbitrary>], iteration_bounds = array<i64: 10>, scalar_prefetch = 0 : i64, scratch_operands = 0 : i64, tpu.core_type = #tpu.core_type<tc>, window_params = [{transform_indices = @transform_0, window_bounds = array<i64: 5000, 64>}, {transform_indices = @transform_1, window_bounds = array<i64: 1, 5000, 64>}, {transform_indices = @transform_2, window_bounds = array<i64: 1, 5000, 64>}, {pipeline_mode = #tpu.pipeline_mode<synchronous>, transform_indices = @transform_3, window_bounds = array<i64: 64, 64>}, {pipeline_mode = #tpu.pipeline_mode<synchronous>, transform_indices = @transform_4, window_bounds = array<i64: 64, 64>}, {pipeline_mode = #tpu.pipeline_mode<synchronous>, transform_indices = @transform_5, window_bounds = array<i64: 1, 64>}, {transform_indices = @transform_6, window_bounds = array<i64: 5000, 64>}, {transform_indices = @transform_7, window_bounds = array<i64: 5000, 64>}]} {
    %get3A = arith.constant 0 : index
    %get3A_0 = arith.constant 0 : index
    %get3A_1 = arith.constant 0 : index
    %get3A_2 = vector.load %arg2[%get3A, %get3A_0, %get3A_1] : memref<1x5000x64xbf16, #tpu.memory_space<vmem>>, vector<1x5000x64xbf16>
    %get3A_3 = vector.shape_cast %get3A_2 : vector<1x5000x64xbf16> to vector<5000x64xbf16>
    %convert_element_type3A = arith.extf %get3A_3 : vector<5000x64xbf16> to vector<5000x64xf32>
    %get3A_4 = arith.constant 0 : index
    %get3A_5 = arith.constant 0 : index
    %get3A_6 = arith.constant 0 : index
    %get3A_7 = vector.load %arg3[%get3A_4, %get3A_5, %get3A_6] : memref<1x5000x64xbf16, #tpu.memory_space<vmem>>, vector<1x5000x64xbf16>
    %get3A_8 = vector.shape_cast %get3A_7 : vector<1x5000x64xbf16> to vector<5000x64xbf16>
    %convert_element_type3A_9 = arith.extf %get3A_8 : vector<5000x64xbf16> to vector<5000x64xf32>
    %add3A = arith.addf %convert_element_type3A, %convert_element_type3A_9 : vector<5000x64xf32>
    %get3A_10 = arith.constant 0 : index
    %get3A_11 = arith.constant 0 : index
    %get3A_12 = vector.load %arg1[%get3A_10, %get3A_11] : memref<5000x64xf32, #tpu.memory_space<vmem>>, vector<5000x64xf32>
    %get3A_13 = arith.constant 0 : index
    %get3A_14 = arith.constant 0 : index
    %get3A_15 = vector.load %arg4[%get3A_13, %get3A_14] : memref<64x64xf32, #tpu.memory_space<vmem>>, vector<64x64xf32>
    %dot_general3A = arith.constant dense<0.000000e+00> : vector<5000x64xf32>
    %dot_general3A_16 = tpu.matmul %get3A_12, %get3A_15, %dot_general3A {dimension_numbers = #tpu.dot_dimension_numbers<[1], [0], [0], [1], [0, 0, 1, 1], [], []>, transpose_lhs_hint = false} : vector<5000x64xf32>, vector<64x64xf32>, vector<5000x64xf32> -> vector<5000x64xf32>
    %get3A_17 = arith.constant 0 : index
    %get3A_18 = arith.constant 0 : index
    %get3A_19 = vector.load %arg5[%get3A_17, %get3A_18] : memref<64x64xf32, #tpu.memory_space<vmem>>, vector<64x64xf32>
    %dot_general3A_20 = arith.constant dense<0.000000e+00> : vector<5000x64xf32>
    %dot_general3A_21 = tpu.matmul %add3A, %get3A_19, %dot_general3A_20 {dimension_numbers = #tpu.dot_dimension_numbers<[1], [0], [0], [1], [0, 0, 1, 1], [], []>, transpose_lhs_hint = false} : vector<5000x64xf32>, vector<64x64xf32>, vector<5000x64xf32> -> vector<5000x64xf32>
    %add3A_22 = arith.addf %dot_general3A_16, %dot_general3A_21 : vector<5000x64xf32>
    %get3A_23 = arith.constant 0 : index
    %get3A_24 = arith.constant 0 : index
    %get3A_25 = vector.load %arg6[%get3A_23, %get3A_24] : memref<1x64xf32, #tpu.memory_space<vmem>>, vector<1x64xf32>
    %add3A_26 = vector.broadcast %get3A_25 : vector<1x64xf32> to vector<5000x64xf32>
    %add3A_27 = arith.addf %add3A_22, %add3A_26 : vector<5000x64xf32>
    %max3A = arith.constant 0.000000e+00 : f32
    %max3A_28 = vector.broadcast %max3A : f32 to vector<5000x64xf32>
    %max3A_29 = arith.maximumf %add3A_27, %max3A_28 : vector<5000x64xf32>
    %swap3A = arith.constant 0 : index
    %swap3A_30 = arith.constant 0 : index
    %swap3A_31 = vector.load %arg7[%swap3A, %swap3A_30] : memref<5000x64xf32, #tpu.memory_space<vmem>>, vector<5000x64xf32>
    tpu.vector_store %arg7[%swap3A, %swap3A_30], %max3A_29 {strides = array<i32>} : memref<5000x64xf32, #tpu.memory_space<vmem>>, vector<5000x64xf32>,
    %convert_element_type3A_32 = arith.truncf %max3A_29 : vector<5000x64xf32> to vector<5000x64xbf16>
    %swap3A_33 = arith.constant 0 : index
    %swap3A_34 = arith.constant 0 : index
    %swap3A_35 = vector.load %arg8[%swap3A_33, %swap3A_34] : memref<5000x64xbf16, #tpu.memory_space<vmem>>, vector<5000x64xbf16>
    tpu.vector_store %arg8[%swap3A_33, %swap3A_34], %convert_element_type3A_32 {strides = array<i32>} : memref<5000x64xbf16, #tpu.memory_space<vmem>>, vector<5000x64xbf16>,
    return
  }
  func.func @transform_0(%arg0: i32) -> (i32, i32) {
    %c0_i32 = arith.constant 0 : i32
    %c0_i32_0 = arith.constant 0 : i32
    return %arg0, %c0_i32 : i32, i32
  }
  func.func @transform_1(%arg0: i32) -> (i32, i32, i32) {
    %c0_i32 = arith.constant 0 : i32
    %c0_i32_0 = arith.constant 0 : i32
    %c0_i32_1 = arith.constant 0 : i32
    return %c0_i32, %arg0, %c0_i32_0 : i32, i32, i32
  }
  func.func @transform_2(%arg0: i32) -> (i32, i32, i32) {
    %c1_i32 = arith.constant 1 : i32
    %c0_i32 = arith.constant 0 : i32
    %c0_i32_0 = arith.constant 0 : i32
    return %c1_i32, %arg0, %c0_i32 : i32, i32, i32
  }
  func.func @transform_3(%arg0: i32) -> (i32, i32) {
    %c0_i32 = arith.constant 0 : i32
    %c0_i32_0 = arith.constant 0 : i32
    %c0_i32_1 = arith.constant 0 : i32
    return %c0_i32, %c0_i32_0 : i32, i32
  }
  func.func @transform_4(%arg0: i32) -> (i32, i32) {
    %c0_i32 = arith.constant 0 : i32
    %c0_i32_0 = arith.constant 0 : i32
    %c0_i32_1 = arith.constant 0 : i32
    return %c0_i32, %c0_i32_0 : i32, i32
  }
  func.func @transform_5(%arg0: i32) -> (i32, i32) {
    %c0_i32 = arith.constant 0 : i32
    %c0_i32_0 = arith.constant 0 : i32
    %c0_i32_1 = arith.constant 0 : i32
    return %c0_i32, %c0_i32_0 : i32, i32
  }
  func.func @transform_6(%arg0: i32) -> (i32, i32) {
    %c0_i32 = arith.constant 0 : i32
    %c0_i32_0 = arith.constant 0 : i32
    return %arg0, %c0_i32 : i32, i32
  }
  func.func @transform_7(%arg0: i32) -> (i32, i32) {
    %c0_i32 = arith.constant 0 : i32
    %c0_i32_0 = arith.constant 0 : i32
    return %arg0, %c0_i32 : i32, i32
  }
}

module attributes {stable_mosaic.version = 14 : i64} {
  func.func @_stage_out_body(%arg0: i32, %arg1: memref<5000x64xf32, #tpu.memory_space<vmem>>, %arg2: memref<1x5000x64xbf16, #tpu.memory_space<vmem>>, %arg3: memref<1x5000x64xbf16, #tpu.memory_space<vmem>>, %arg4: memref<5000x3xf32, #tpu.memory_space<vmem>>, %arg5: memref<64x64xf32, #tpu.memory_space<vmem>>, %arg6: memref<64x64xf32, #tpu.memory_space<vmem>>, %arg7: memref<1x64xf32, #tpu.memory_space<vmem>>, %arg8: memref<64x64xf32, #tpu.memory_space<vmem>>, %arg9: memref<1x64xf32, #tpu.memory_space<vmem>>, %arg10: memref<64x64xf32, #tpu.memory_space<vmem>>, %arg11: memref<3x64xf32, #tpu.memory_space<vmem>>, %arg12: memref<1x64xf32, #tpu.memory_space<vmem>>, %arg13: memref<64x3xf32, #tpu.memory_space<vmem>>, %arg14: memref<1x3xf32, #tpu.memory_space<vmem>>, %arg15: memref<5000x3xf32, #tpu.memory_space<vmem>>) attributes {dimension_semantics = [#tpu.dimension_semantics<arbitrary>], iteration_bounds = array<i64: 10>, scalar_prefetch = 0 : i64, scratch_operands = 0 : i64, tpu.core_type = #tpu.core_type<tc>, window_params = [{transform_indices = @transform_0, window_bounds = array<i64: 5000, 64>}, {transform_indices = @transform_1, window_bounds = array<i64: 1, 5000, 64>}, {transform_indices = @transform_2, window_bounds = array<i64: 1, 5000, 64>}, {transform_indices = @transform_3, window_bounds = array<i64: 5000, 3>}, {pipeline_mode = #tpu.pipeline_mode<synchronous>, transform_indices = @transform_4, window_bounds = array<i64: 64, 64>}, {pipeline_mode = #tpu.pipeline_mode<synchronous>, transform_indices = @transform_5, window_bounds = array<i64: 64, 64>}, {pipeline_mode = #tpu.pipeline_mode<synchronous>, transform_indices = @transform_6, window_bounds = array<i64: 1, 64>}, {pipeline_mode = #tpu.pipeline_mode<synchronous>, transform_indices = @transform_7, window_bounds = array<i64: 64, 64>}, {pipeline_mode = #tpu.pipeline_mode<synchronous>, transform_indices = @transform_8, window_bounds = array<i64: 1, 64>}, {pipeline_mode = #tpu.pipeline_mode<synchronous>, transform_indices = @transform_9, window_bounds = array<i64: 64, 64>}, {pipeline_mode = #tpu.pipeline_mode<synchronous>, transform_indices = @transform_10, window_bounds = array<i64: 3, 64>}, {pipeline_mode = #tpu.pipeline_mode<synchronous>, transform_indices = @transform_11, window_bounds = array<i64: 1, 64>}, {pipeline_mode = #tpu.pipeline_mode<synchronous>, transform_indices = @transform_12, window_bounds = array<i64: 64, 3>}, {pipeline_mode = #tpu.pipeline_mode<synchronous>, transform_indices = @transform_13, window_bounds = array<i64: 1, 3>}, {transform_indices = @transform_14, window_bounds = array<i64: 5000, 3>}]} {
    %get3A = arith.constant 0 : index
    %get3A_0 = arith.constant 0 : index
    %get3A_1 = arith.constant 0 : index
    %get3A_2 = vector.load %arg2[%get3A, %get3A_0, %get3A_1] : memref<1x5000x64xbf16, #tpu.memory_space<vmem>>, vector<1x5000x64xbf16>
    %get3A_3 = vector.shape_cast %get3A_2 : vector<1x5000x64xbf16> to vector<5000x64xbf16>
    %convert_element_type3A = arith.extf %get3A_3 : vector<5000x64xbf16> to vector<5000x64xf32>
    %get3A_4 = arith.constant 0 : index
    %get3A_5 = arith.constant 0 : index
    %get3A_6 = arith.constant 0 : index
    %get3A_7 = vector.load %arg3[%get3A_4, %get3A_5, %get3A_6] : memref<1x5000x64xbf16, #tpu.memory_space<vmem>>, vector<1x5000x64xbf16>
    %get3A_8 = vector.shape_cast %get3A_7 : vector<1x5000x64xbf16> to vector<5000x64xbf16>
    %convert_element_type3A_9 = arith.extf %get3A_8 : vector<5000x64xbf16> to vector<5000x64xf32>
    %add3A = arith.addf %convert_element_type3A, %convert_element_type3A_9 : vector<5000x64xf32>
    %get3A_10 = arith.constant 0 : index
    %get3A_11 = arith.constant 0 : index
    %get3A_12 = vector.load %arg1[%get3A_10, %get3A_11] : memref<5000x64xf32, #tpu.memory_space<vmem>>, vector<5000x64xf32>
    %get3A_13 = arith.constant 0 : index
    %get3A_14 = arith.constant 0 : index
    %get3A_15 = vector.load %arg5[%get3A_13, %get3A_14] : memref<64x64xf32, #tpu.memory_space<vmem>>, vector<64x64xf32>
    %dot_general3A = arith.constant dense<0.000000e+00> : vector<5000x64xf32>
    %dot_general3A_16 = tpu.matmul %get3A_12, %get3A_15, %dot_general3A {dimension_numbers = #tpu.dot_dimension_numbers<[1], [0], [0], [1], [0, 0, 1, 1], [], []>, transpose_lhs_hint = false} : vector<5000x64xf32>, vector<64x64xf32>, vector<5000x64xf32> -> vector<5000x64xf32>
    %get3A_17 = arith.constant 0 : index
    %get3A_18 = arith.constant 0 : index
    %get3A_19 = vector.load %arg6[%get3A_17, %get3A_18] : memref<64x64xf32, #tpu.memory_space<vmem>>, vector<64x64xf32>
    %dot_general3A_20 = arith.constant dense<0.000000e+00> : vector<5000x64xf32>
    %dot_general3A_21 = tpu.matmul %add3A, %get3A_19, %dot_general3A_20 {dimension_numbers = #tpu.dot_dimension_numbers<[1], [0], [0], [1], [0, 0, 1, 1], [], []>, transpose_lhs_hint = false} : vector<5000x64xf32>, vector<64x64xf32>, vector<5000x64xf32> -> vector<5000x64xf32>
    %add3A_22 = arith.addf %dot_general3A_16, %dot_general3A_21 : vector<5000x64xf32>
    %get3A_23 = arith.constant 0 : index
    %get3A_24 = arith.constant 0 : index
    %get3A_25 = vector.load %arg7[%get3A_23, %get3A_24] : memref<1x64xf32, #tpu.memory_space<vmem>>, vector<1x64xf32>
    %add3A_26 = vector.broadcast %get3A_25 : vector<1x64xf32> to vector<5000x64xf32>
    %add3A_27 = arith.addf %add3A_22, %add3A_26 : vector<5000x64xf32>
    %max3A = arith.constant 0.000000e+00 : f32
    %max3A_28 = vector.broadcast %max3A : f32 to vector<5000x64xf32>
    %max3A_29 = arith.maximumf %add3A_27, %max3A_28 : vector<5000x64xf32>
    %get3A_30 = arith.constant 0 : index
    %get3A_31 = arith.constant 0 : index
    %get3A_32 = vector.load %arg8[%get3A_30, %get3A_31] : memref<64x64xf32, #tpu.memory_space<vmem>>, vector<64x64xf32>
    %dot_general3A_33 = arith.constant dense<0.000000e+00> : vector<5000x64xf32>
    %dot_general3A_34 = tpu.matmul %max3A_29, %get3A_32, %dot_general3A_33 {dimension_numbers = #tpu.dot_dimension_numbers<[1], [0], [0], [1], [0, 0, 1, 1], [], []>, transpose_lhs_hint = false} : vector<5000x64xf32>, vector<64x64xf32>, vector<5000x64xf32> -> vector<5000x64xf32>
    %get3A_35 = arith.constant 0 : index
    %get3A_36 = arith.constant 0 : index
    %get3A_37 = vector.load %arg9[%get3A_35, %get3A_36] : memref<1x64xf32, #tpu.memory_space<vmem>>, vector<1x64xf32>
    %add3A_38 = vector.broadcast %get3A_37 : vector<1x64xf32> to vector<5000x64xf32>
    %add3A_39 = arith.addf %dot_general3A_34, %add3A_38 : vector<5000x64xf32>
    %get3A_40 = arith.constant 0 : index
    %get3A_41 = arith.constant 0 : index
    %get3A_42 = vector.load %arg4[%get3A_40, %get3A_41] : memref<5000x3xf32, #tpu.memory_space<vmem>>, vector<5000x3xf32>
    %iota3A = tpu.iota {dimensions = array<i32: 0>} : vector<5000x1xi32>
    %jit3A = arith.constant 2 : i32
    %eq3A = arith.constant 0 : i32
    %eq3A_43 = arith.cmpi eq, %jit3A, %eq3A : i32
    %jit3A_44 = arith.constant 1 : i32
    %select_n3A = arith.select %eq3A_43, %jit3A_44, %jit3A : i32
    %rem3A = vector.broadcast %select_n3A : i32 to vector<5000x1xi32>
    %rem3A_45 = arith.remsi %iota3A, %rem3A : vector<5000x1xi32>
    %ne3A = arith.constant 0 : i32
    %ne3A_46 = vector.broadcast %ne3A : i32 to vector<5000x1xi32>
    %ne3A_47 = arith.cmpi ne, %rem3A_45, %ne3A_46 : vector<5000x1xi32>
    %lt3A = arith.constant 0 : i32
    %lt3A_48 = vector.broadcast %lt3A : i32 to vector<5000x1xi32>
    %lt3A_49 = arith.cmpi slt, %rem3A_45, %lt3A_48 : vector<5000x1xi32>
    %lt3A_50 = arith.constant 0 : i32
    %lt3A_51 = arith.cmpi slt, %select_n3A, %lt3A_50 : i32
    %ne3A_52 = vector.broadcast %lt3A_51 : i1 to vector<5000x1xi1>
    %ne3A_53 = vector.broadcast %ne3A_52 : vector<5000x1xi1> to vector<5000x1xi1>
    %ne3A_54 = arith.xori %lt3A_49, %ne3A_53 : vector<5000x1xi1>
    %and3A = arith.andi %ne3A_54, %ne3A_47 : vector<5000x1xi1>
    %add3A_55 = vector.broadcast %select_n3A : i32 to vector<5000x1xi32>
    %add3A_56 = arith.addi %rem3A_45, %add3A_55 : vector<5000x1xi32>
    %select_n3A_57 = arith.select %and3A, %add3A_56, %rem3A_45 : vector<5000x1xi1>, vector<5000x1xi32>
    %convert_element_type3A_58 = arith.sitofp %select_n3A_57 : vector<5000x1xi32> to vector<5000x1xf32>
    %get3A_59 = arith.constant 0 : index
    %get3A_60 = arith.constant 0 : index
    %get3A_61 = vector.load %arg10[%get3A_59, %get3A_60] : memref<64x64xf32, #tpu.memory_space<vmem>>, vector<64x64xf32>
    %dot_general3A_62 = arith.constant dense<0.000000e+00> : vector<5000x64xf32>
    %dot_general3A_63 = tpu.matmul %add3A_39, %get3A_61, %dot_general3A_62 {dimension_numbers = #tpu.dot_dimension_numbers<[1], [0], [0], [1], [0, 0, 1, 1], [], []>, transpose_lhs_hint = false} : vector<5000x64xf32>, vector<64x64xf32>, vector<5000x64xf32> -> vector<5000x64xf32>
    %get3A_64 = arith.constant 0 : index
    %get3A_65 = arith.constant 0 : index
    %get3A_66 = vector.load %arg12[%get3A_64, %get3A_65] : memref<1x64xf32, #tpu.memory_space<vmem>>, vector<1x64xf32>
    %add3A_67 = vector.broadcast %get3A_66 : vector<1x64xf32> to vector<5000x64xf32>
    %add3A_68 = arith.addf %dot_general3A_63, %add3A_67 : vector<5000x64xf32>
    %mul3A = vector.broadcast %convert_element_type3A_58 : vector<5000x1xf32> to vector<5000x3xf32>
    %mul3A_69 = arith.mulf %get3A_42, %mul3A : vector<5000x3xf32>
    %slice3A = vector.extract_strided_slice %mul3A_69 {offsets = [0, 0], sizes = [5000, 1], strides = [1, 1]} : vector<5000x3xf32> to vector<5000x1xf32>
    %get3A_70 = arith.constant 0 : index
    %get3A_71 = arith.constant 0 : index
    %get3A_72 = vector.load %arg11[%get3A_70, %get3A_71] : memref<3x64xf32, #tpu.memory_space<vmem>>, vector<1x64xf32>
    %mul3A_73 = vector.broadcast %slice3A : vector<5000x1xf32> to vector<5000x64xf32>
    %mul3A_74 = vector.broadcast %get3A_72 : vector<1x64xf32> to vector<5000x64xf32>
    %mul3A_75 = arith.mulf %mul3A_73, %mul3A_74 : vector<5000x64xf32>
    %add3A_76 = arith.addf %add3A_68, %mul3A_75 : vector<5000x64xf32>
    %slice3A_77 = vector.extract_strided_slice %mul3A_69 {offsets = [0, 1], sizes = [5000, 1], strides = [1, 1]} : vector<5000x3xf32> to vector<5000x1xf32>
    %get3A_78 = arith.constant 1 : index
    %get3A_79 = arith.constant 0 : index
    %get3A_80 = vector.load %arg11[%get3A_78, %get3A_79] : memref<3x64xf32, #tpu.memory_space<vmem>>, vector<1x64xf32>
    %mul3A_81 = vector.broadcast %slice3A_77 : vector<5000x1xf32> to vector<5000x64xf32>
    %mul3A_82 = vector.broadcast %get3A_80 : vector<1x64xf32> to vector<5000x64xf32>
    %mul3A_83 = arith.mulf %mul3A_81, %mul3A_82 : vector<5000x64xf32>
    %add3A_84 = arith.addf %add3A_76, %mul3A_83 : vector<5000x64xf32>
    %slice3A_85 = vector.extract_strided_slice %mul3A_69 {offsets = [0, 2], sizes = [5000, 1], strides = [1, 1]} : vector<5000x3xf32> to vector<5000x1xf32>
    %get3A_86 = arith.constant 2 : index
    %get3A_87 = arith.constant 0 : index
    %get3A_88 = vector.load %arg11[%get3A_86, %get3A_87] : memref<3x64xf32, #tpu.memory_space<vmem>>, vector<1x64xf32>
    %mul3A_89 = vector.broadcast %slice3A_85 : vector<5000x1xf32> to vector<5000x64xf32>
    %mul3A_90 = vector.broadcast %get3A_88 : vector<1x64xf32> to vector<5000x64xf32>
    %mul3A_91 = arith.mulf %mul3A_89, %mul3A_90 : vector<5000x64xf32>
    %add3A_92 = arith.addf %add3A_84, %mul3A_91 : vector<5000x64xf32>
    %max3A_93 = arith.constant 0.000000e+00 : f32
    %max3A_94 = vector.broadcast %max3A_93 : f32 to vector<5000x64xf32>
    %max3A_95 = arith.maximumf %add3A_92, %max3A_94 : vector<5000x64xf32>
    %get3A_96 = arith.constant 0 : index
    %get3A_97 = arith.constant 0 : index
    %get3A_98 = vector.load %arg13[%get3A_96, %get3A_97] : memref<64x3xf32, #tpu.memory_space<vmem>>, vector<64x3xf32>
    %dot_general3A_99 = arith.constant dense<0.000000e+00> : vector<5000x3xf32>
    %dot_general3A_100 = tpu.matmul %max3A_95, %get3A_98, %dot_general3A_99 {dimension_numbers = #tpu.dot_dimension_numbers<[1], [0], [0], [1], [0, 0, 1, 1], [], []>, transpose_lhs_hint = false} : vector<5000x64xf32>, vector<64x3xf32>, vector<5000x3xf32> -> vector<5000x3xf32>
    %get3A_101 = arith.constant 0 : index
    %get3A_102 = arith.constant 0 : index
    %get3A_103 = vector.load %arg14[%get3A_101, %get3A_102] : memref<1x3xf32, #tpu.memory_space<vmem>>, vector<1x3xf32>
    %add3A_104 = vector.broadcast %get3A_103 : vector<1x3xf32> to vector<5000x3xf32>
    %add3A_105 = arith.addf %dot_general3A_100, %add3A_104 : vector<5000x3xf32>
    %sub3A = arith.constant 1.000000e+00 : f32
    %sub3A_106 = vector.broadcast %sub3A : f32 to vector<5000x1xf32>
    %sub3A_107 = arith.subf %sub3A_106, %convert_element_type3A_58 : vector<5000x1xf32>
    %mul3A_108 = vector.broadcast %sub3A_107 : vector<5000x1xf32> to vector<5000x3xf32>
    %mul3A_109 = arith.mulf %add3A_105, %mul3A_108 : vector<5000x3xf32>
    %add3A_110 = arith.addf %get3A_42, %mul3A_109 : vector<5000x3xf32>
    %swap3A = arith.constant 0 : index
    %swap3A_111 = arith.constant 0 : index
    %swap3A_112 = vector.load %arg15[%swap3A, %swap3A_111] : memref<5000x3xf32, #tpu.memory_space<vmem>>, vector<5000x3xf32>
    tpu.vector_store %arg15[%swap3A, %swap3A_111], %add3A_110 {strides = array<i32>} : memref<5000x3xf32, #tpu.memory_space<vmem>>, vector<5000x3xf32>,
    return
  }
  func.func @transform_0(%arg0: i32) -> (i32, i32) {
    %c0_i32 = arith.constant 0 : i32
    %c0_i32_0 = arith.constant 0 : i32
    return %arg0, %c0_i32 : i32, i32
  }
  func.func @transform_1(%arg0: i32) -> (i32, i32, i32) {
    %c0_i32 = arith.constant 0 : i32
    %c0_i32_0 = arith.constant 0 : i32
    %c0_i32_1 = arith.constant 0 : i32
    return %c0_i32, %arg0, %c0_i32_0 : i32, i32, i32
  }
  func.func @transform_2(%arg0: i32) -> (i32, i32, i32) {
    %c1_i32 = arith.constant 1 : i32
    %c0_i32 = arith.constant 0 : i32
    %c0_i32_0 = arith.constant 0 : i32
    return %c1_i32, %arg0, %c0_i32 : i32, i32, i32
  }
  func.func @transform_3(%arg0: i32) -> (i32, i32) {
    %c0_i32 = arith.constant 0 : i32
    %c0_i32_0 = arith.constant 0 : i32
    return %arg0, %c0_i32 : i32, i32
  }
  func.func @transform_4(%arg0: i32) -> (i32, i32) {
    %c0_i32 = arith.constant 0 : i32
    %c0_i32_0 = arith.constant 0 : i32
    %c0_i32_1 = arith.constant 0 : i32
    return %c0_i32, %c0_i32_0 : i32, i32
  }
  func.func @transform_5(%arg0: i32) -> (i32, i32) {
    %c0_i32 = arith.constant 0 : i32
    %c0_i32_0 = arith.constant 0 : i32
    %c0_i32_1 = arith.constant 0 : i32
    return %c0_i32, %c0_i32_0 : i32, i32
  }
  func.func @transform_6(%arg0: i32) -> (i32, i32) {
    %c0_i32 = arith.constant 0 : i32
    %c0_i32_0 = arith.constant 0 : i32
    %c0_i32_1 = arith.constant 0 : i32
    return %c0_i32, %c0_i32_0 : i32, i32
  }
  func.func @transform_7(%arg0: i32) -> (i32, i32) {
    %c0_i32 = arith.constant 0 : i32
    %c0_i32_0 = arith.constant 0 : i32
    %c0_i32_1 = arith.constant 0 : i32
    return %c0_i32, %c0_i32_0 : i32, i32
  }
  func.func @transform_8(%arg0: i32) -> (i32, i32) {
    %c0_i32 = arith.constant 0 : i32
    %c0_i32_0 = arith.constant 0 : i32
    %c0_i32_1 = arith.constant 0 : i32
    return %c0_i32, %c0_i32_0 : i32, i32
  }
  func.func @transform_9(%arg0: i32) -> (i32, i32) {
    %c0_i32 = arith.constant 0 : i32
    %c0_i32_0 = arith.constant 0 : i32
    %c0_i32_1 = arith.constant 0 : i32
    return %c0_i32, %c0_i32_0 : i32, i32
  }
  func.func @transform_10(%arg0: i32) -> (i32, i32) {
    %c0_i32 = arith.constant 0 : i32
    %c0_i32_0 = arith.constant 0 : i32
    %c0_i32_1 = arith.constant 0 : i32
    return %c0_i32, %c0_i32_0 : i32, i32
  }
  func.func @transform_11(%arg0: i32) -> (i32, i32) {
    %c0_i32 = arith.constant 0 : i32
    %c0_i32_0 = arith.constant 0 : i32
    %c0_i32_1 = arith.constant 0 : i32
    return %c0_i32, %c0_i32_0 : i32, i32
  }
  func.func @transform_12(%arg0: i32) -> (i32, i32) {
    %c0_i32 = arith.constant 0 : i32
    %c0_i32_0 = arith.constant 0 : i32
    %c0_i32_1 = arith.constant 0 : i32
    return %c0_i32, %c0_i32_0 : i32, i32
  }
  func.func @transform_13(%arg0: i32) -> (i32, i32) {
    %c0_i32 = arith.constant 0 : i32
    %c0_i32_0 = arith.constant 0 : i32
    %c0_i32_1 = arith.constant 0 : i32
    return %c0_i32, %c0_i32_0 : i32, i32
  }
  func.func @transform_14(%arg0: i32) -> (i32, i32) {
    %c0_i32 = arith.constant 0 : i32
    %c0_i32_0 = arith.constant 0 : i32
    return %arg0, %c0_i32 : i32, i32
  }
}

</mosaic_0001>

<sc_bundles>
// kernel: kernel.10.cloned.1.call-start
scs
__scs_entry_jumppad:
0x0: {  	(pc) =	sbr.rel $0x88, $3  }
0x1: {  	(tag) =	ssettag $0x0;
	lr =	simm.s32 $0x1  }
0x2: {  	[smem:$0x3F90] =	sst lr;
	_ =	strace $0xD0000000  }
0x3: {  	_ = 	snop  }
0x4: {  	_ = 	snop  }
0x5: {  	_ = 	snop  }
0x6: {  	_ = 	snop  }
0x7: {  	_ = 	snop  }
__scs_overlays_trampoline_lowered:
0x8: {  	[smem:$0x3F9F] =	sst s0  }
0x9: {  	[smem:$0x3FA0] =	sst s1  }
0xa: {  	[smem:$0x3FA1] =	sst s2  }
0xb: {  	[smem:$0x3FA2] =	sst s3  }
0xc: {  	[smem:$0x3FA3] =	sst s4  }
0xd: {  	[smem:$0x3FA4] =	sst s5  }
0xe: {  	[smem:$0x3FA5] =	sst s6  }
0xf: {  	[smem:$0x3FA6] =	sst s7  }
0x10: {  	[smem:$0x3FA7] =	sst s8  }
0x11: {  	[smem:$0x3FA8] =	sst s9;
	s0 =	simm.s32 @!p0 $0x0  }
0x12: {  	s1 =	sld [smem:$0x3F8E];
	s0 =	simm.s32 @p0 $0x1  }
0x13: {  	[smem:$0x3FA9] =	sst s0;
	s0 =	simm.s32 @!p1 $0x0  }
0x14: {  	s2 =	sld [smem:$0x3F8D];
	s0 =	simm.s32 @p1 $0x1  }
0x15: {  	[smem:$0x3FAA] =	sst s0;
	s0 =	simm.s32 @!p2 $0x0  }
0x16: {  	s3 =	sld [smem:$0x3FDB];
	s0 =	simm.s32 @p2 $0x1  }
0x17: {  	s4 =	simm.s32 $0x1BF5;
	[smem:$0x3FAC] =	sst s0  }
0x18: {  	s0 =	sld [smem:$0x3F8F];
	_ =	swait.ge [sflag:s4], $0x0  }
0x19: {  	s7 =	sld [smem:$0x3F90]  }
0x1a: {  	s8 =	sadd.s32 $0xFFFFE003, lr  }
0x1b: {  	s9 =	sadd.s32 $0xFFFFFEF7, lr;
	s5 =	simm.s32 $0xFFFFFFFF;
	p2 =	slt.u32 s8, $0xFFFFF086  }
0x1c: {  	p1 =	slt.u32 s9, $0xF7A;
	s5 =	simm.s32 @!p2 $0x0  }
0x1d: {  	s5 =	simm.s32 @p1 $0x1;
	p0 =	seq.s32 s7, s2  }
0x1e: {  	s7 =	smul.u32 @!p0 $0xF7A, s2;
	p2 =	seq.s32 @!p0 s5, $0x0  }
0x1f: {  	s9 =	smul.u32 $0xF7A, s1;
	s8 =	simm.s32 @!p0 $0x1BF5;
	p2 =	por !p2, p0  }
0x20: {  	[sflag:s8] =	ssyncset.s32 @!p0 $0xFFFFF086;
	s6 =	sadd.s32 @!p0 s3, s7;
	s7 =	simm.s32 @!p0 $0x108  }
0x21: {  	s3 =	sadd.s32 s3, s9;
	s6 =	sadd.s32 @!p0 $0x88, s6;
	s7 =	simm.s32 @p2 $0x1082  }
0x22: {  	[simem:s7], [sflag:s8] =	dma.local @!p0 [hbm:s6], $0xF7A  }
0x23: {  	s9 =	sor.u32 $0xD0000000, s2;
	s6 =	simm.s32 $0x108;
	_ =	swait.ge @!p0 [sflag:s8], $0x0  }
0x24: {  	s3 =	sadd.s32 $0x88, s3;
	s6 =	simm.s32 @!p1 $0x1082;
	[sflag:s4] =	ssyncset.s32 $0xFFFFF086  }
0x25: {  	[simem:s6], [sflag:s4] =	dma.local [hbm:s3], $0xF7A  }
0x26: {  	[smem:$0x3F90] =	sst s1;
	(tag) =	ssettag s2;
	_ =	strace s9  }
0x27: {  	s1 =	sld [smem:$0x3FA0]  }
0x28: {  	s2 =	sld [smem:$0x3FA1]  }
0x29: {  	s4 =	sld [smem:$0x3FA3]  }
0x2a: {  	p0 =	seq.s32 s5, $0x0;
	s5 =	sld [smem:$0x3FA4]  }
0x2b: {  	s6 =	sld [smem:$0x3FA5]  }
0x2c: {  	s7 =	sld [smem:$0x3FA6]  }
0x2d: {  	s3 =	simm.s32 $0x108;
	s8 =	sld [smem:$0x3FA7]  }
0x2e: {  	s3 =	simm.s32 @!p0 $0x1082;
	s9 =	sld [smem:$0x3FA8]  }
0x2f: {  	lr =	sadd.s32 s0, s3;
	s0 =	sld [smem:$0x3F9F]  }
0x30: {  	s3 =	sld [smem:$0x3FA2]  }
0x31: {  	[smem:$0x3FAB] =	sst s10  }
0x32: {  	s10 =	sld [smem:$0x3FA9];
	_ =	sdelay $0x3  }
0x33: {  	p0 =	seq.s32 s10, $0x1;
	s10 =	sld [smem:$0x3FAB];
	_ =	sdelay $0x3  }
0x34: {  	[smem:$0x3FAB] =	sst s10  }
0x35: {  	s10 =	sld [smem:$0x3FAA];
	_ =	sdelay $0x3  }
0x36: {  	p1 =	seq.s32 s10, $0x1;
	s10 =	sld [smem:$0x3FAB];
	_ =	sdelay $0x3  }
0x37: {  	[smem:$0x3FAB] =	sst s10  }
0x38: {  	s10 =	sld [smem:$0x3FAC]  }
0x39: {  	_ = 	snop;
	(pc) =	sbr.ind lr, $3  }
0x3a: {  	_ = 	snop  }
0x3b: {  	_ = 	snop  }
0x3c: {  	p2 =	seq.s32 s10, $0x1;
	s10 =	sld [smem:$0x3FAB]  }
0x3d: {  	_ =	shalt  }
0x3e: {  	_ =	shalt  }
0x3f: {  	_ =	shalt  }
0x40: {  	_ =	shalt  }
0x41: {  	_ =	shalt  }
0x42: {  	_ =	shalt  }
0x43: {  	_ =	shalt  }
0x44: {  	_ =	shalt  }
0x45: {  	_ =	shalt  }
0x46: {  	_ =	shalt  }
0x47: {  	_ =	shalt  }
0x48: {  	_ =	shalt  }
0x49: {  	_ =	shalt  }
0x4a: {  	_ =	shalt  }
0x4b: {  	_ =	shalt  }
0x4c: {  	_ =	shalt  }
0x4d: {  	_ =	shalt  }
0x4e: {  	_ =	shalt  }
0x4f: {  	_ =	shalt  }
0x50: {  	_ =	shalt  }
0x51: {  	_ =	shalt  }
0x52: {  	_ =	shalt  }
0x53: {  	_ =	shalt  }
0x54: {  	_ =	shalt  }
0x55: {  	_ =	shalt  }
0x56: {  	_ =	shalt  }
0x57: {  	_ =	shalt  }
0x58: {  	_ =	shalt  }
0x59: {  	_ =	shalt  }
0x5a: {  	_ =	shalt  }
0x5b: {  	_ =	shalt  }
0x5c: {  	_ =	shalt  }
0x5d: {  	_ =	shalt  }
0x5e: {  	_ =	shalt  }
0x5f: {  	_ =	shalt  }
0x60: {  	_ =	shalt  }
0x61: {  	_ =	shalt  }
0x62: {  	_ =	shalt  }
0x63: {  	_ =	shalt  }
0x64: {  	_ =	shalt  }
0x65: {  	_ =	shalt  }
0x66: {  	_ =	shalt  }
0x67: {  	_ =	shalt  }
0x68: {  	_ =	shalt  }
0x69: {  	_ =	shalt  }
0x6a: {  	_ =	shalt  }
0x6b: {  	_ =	shalt  }
0x6c: {  	_ =	shalt  }
0x6d: {  	_ =	shalt  }
0x6e: {  	_ =	shalt  }
0x6f: {  	_ =	shalt  }
0x70: {  	_ =	shalt  }
0x71: {  	_ =	shalt  }
0x72: {  	_ =	shalt  }
0x73: {  	_ =	shalt  }
0x74: {  	_ =	shalt  }
0x75: {  	_ =	shalt  }
0x76: {  	_ =	shalt  }
0x77: {  	_ =	shalt  }
0x78: {  	_ =	shalt  }
0x79: {  	_ =	shalt  }
0x7a: {  	_ =	shalt  }
0x7b: {  	_ =	shalt  }
0x7c: {  	_ =	shalt  }
0x7d: {  	_ =	shalt  }
0x7e: {  	_ =	shalt  }
0x7f: {  	_ =	shalt  }
0x80: {  	_ =	shalt  }
0x81: {  	_ =	shalt  }
0x82: {  	_ =	shalt  }
0x83: {  	_ =	shalt  }
0x84: {  	_ =	shalt  }
0x85: {  	_ =	shalt  }
0x86: {  	_ =	shalt  }
0x87: {  	_ =	shalt  }
.Lfunc_end0:
.L_simem_size_0:
called_computation.1_lowered:
.L_overlay_start_0:
0x88: {  	s2 =	sld [smem:$0x3FD9]  }
0x89: {  	s3 =	sld [smem:$0x3FFE];
	_ =	sdelay $0x1  }
0x8a: {  	s1 =	srdreg.scid  }
0x8b: {  	s0 =	sand.u32 $0x1, s1  }
0x8c: {  	s14 =	sshll.u32 s0, $0xA;
	s2 =	sadd.s32 s3, s2  }
0x8d: {  	s2 =	sadd.s32 s2, s14  }
0x8e: {  	[smem:$0x3FB7] =	sst s2  }
0x8f: {  	_ = 	snop  }
0x90: {  	s2 =	sld [smem:$0x3FD0];
	_ =	sdelay $0x2  }
0x91: {  	s15 =	simm.s32 $0xA;
	s4 =	simm.s32 $0x10  }
0x92: {  	[smem:s4], [sflag:s15] =	dma.local [hbm:s2], $0x1  }
0x93: {  	_ =	swait.eq [sflag:s15], $0x1  }
0x94: {  	[sflag:s15] =	ssyncset.done $0x0  }
0x95: {  	[sflag:s15] =	ssyncadd.s32 $0xFFFFFFFF  }
0x96: {  	s16 =	sld [smem:$0x10];
	(tm) =	ssettm $0x1  }
0x97: {  	s17 =	sld [smem:$0x3FFB];
	_ =	sdelay $0x3  }
0x98: {  	_ =	strace s17  }
0x99: {  	s3 =	sld [smem:$0x3FFC];
	_ =	sdelay $0x3  }
0x9a: {  	_ =	strace s3  }
0x9b: {  	s3 =	sld [smem:$0x3FFD];
	_ =	sdelay $0x3  }
0x9c: {  	_ =	strace s3  }
0x9d: {  	_ =	strace $0x8FFFFFFF  }
0x9e: {  	s18 =	sld [smem:$0x3FDB];
	_ =	sdelay $0x1  }
0x9f: {  	s19 =	simm.s32 $_scs_section_size  }
0xa0: {  	s5 =	simm.s32 $_size__tile_overlayer_lowered;
	s6 =	simm.s32 $_tile_overlayer_lowered  }
0xa1: {  	s22 =	simm.s32 $0x1BFF;
	s21 =	sshll.u32 s6, $0x1;
	s3 =	sadd.s32 s19, s18  }
0xa2: {  	s7 =	simm.s32 $0x0;
	s20 =	sshll.u32 s5, $0x1;
	s5 =	sadd.s32 s21, s3  }
0xa3: {  	[timem:s7], [sflag:s22] =	dma.local [hbm:s5], s20  }
0xa4: {  	_ =	swait.ge [sflag:s22], s20  }
0xa5: {  	s4 =	ssub.s32 $0x0, s20;
	[sflag:s22] =	ssyncset.done $0x0  }
0xa6: {  	[sflag:s22] =	ssyncadd.s32 s4;
	_ =	sdelay $0x1  }
0xa7: {  	s23 =	simm.s32 $0x1B8B  }
0xa8: {  	_ =	swait.ge [sflag:s23], $0x1  }
0xa9: {  	[sflag:s23] =	ssyncset.done $0x0  }
0xaa: {  	s25 =	simm.s32 $0x1B8E;
	s24 =	sld [smem:$0x3FFE];
	[sflag:s23] =	ssyncadd.s32 $0xFFFFFFFF  }
0xab: {  	s26 =	simm.s32 $execute0_lowered;
	[smem:$0x3FD2] =	sst s25  }
0xac: {  	s5 =	sshll.u32 s26, $0x1;
	_ =	strace $0x80000049;
	[dreg:$0x1] =	wrdreg $0xFFFFFFFF  }
0xad: {  	s28 =	simm.s32 $_size_execute0_lowered;
	s3 =	sadd.s32 s3, s5;
	[dreg:$0x0] =	wrdreg $0x0  }
0xae: {  	s5 =	sshll.u32 s28, $0x1;
	[dreg:$0x2] =	wrdreg s3  }
0xaf: {  	[dreg:$0x3] =	wrdreg s5  }
0xb0: {  	[dreg:$0x4] =	wrdreg $0xC0  }
0xb1: {  	_ =	task [dreg:s7], $0x5FFFF  }
0xb2: {  	[dreg:$0x1] =	wrdreg $0xFFFFFFFF  }
0xb3: {  	[dreg:$0x0] =	wrdreg $0x60  }
0xb4: {  	[dreg:$0x2] =	wrdreg s24  }
0xb5: {  	[dreg:$0x3] =	wrdreg s16  }
0xb6: {  	[dreg:$0x4] =	wrdreg $0x0  }
0xb7: {  	[dreg:$0x5] =	wrdreg $0x9  }
0xb8: {  	_ =	task.clear_ibuf [dreg:s7], $0x6FFFF;
	_ =	strace $0x90000049  }
0xb9: {  	s29 =	simm.s32 $0x9;
	_ =	strace $0x8000004B  }
0xba: {  	_ =	swait.ge [sflag:s29], $0x1  }
0xbb: {  	[sflag:s29] =	ssyncadd.s32 $0xFFFFFFFF  }
0xbc: {  	_ =	strace $0x9000004B  }
0xbd: {  	_ =	sfence  }
0xbe: {  	s30 =	sld [smem:$0x0];
	_ =	sdelay $0x2  }
0xbf: {  	s31 =	sshll.u32 s1, $0xD;
	s1 =	sshrl.u32 s1, $0x2  }
0xc0: {  	s3 =	sand.u32 $0x4000, s31;
	s1 =	sadd.s32 s1, s30  }
0xc1: {  	s0 =	sor.u32 s3, s0;
	s1 =	sshll.u32 s1, $0x11  }
0xc2: {  	s0 =	sor.u32 s1, s0  }
0xc3: {  	s0 =	sadd.s32 $0x8F2B, s0  }
0xc4: {  	[sflag:s0] =	ssyncadd.remote.s32 $0x1  }
0xc5: {  	_ =	sfence.sel $0xFFFF  }
0xc6: {  	[dreg:$0x0] =	wrdreg $0xFFFFFFFF;
	(pc) =	sbr.abs _section_cstart, $3  }
0xc7: {  	[dreg:$0x1] =	wrdreg $0xFFFFFFFF  }
0xc8: {  	_ =	task.clear_ibuf [dreg:s7], $0x2FFFF;
	_ =	strace $0x9FFFFFFF  }
0xc9: {  	(tm) =	ssettm $0x7FFFFFFF  }
tec
execute0_lowered:
.L_overlay_start_1:
0x0: {  	(tag) =	ssettag $0x1  }
0x1: {  	s6 =	rddreg [dreg:$0x0]  }
0x2: {  	s1 =	rddreg [dreg:$0x1]  }
0x3: {  	s2 =	rddreg [dreg:$0x2]  }
0x4: {  	s0 =	rddreg [dreg:$0x3];
	s4 =	simm.s32 $0x0;
	s3 =	srdreg.scid  }
0x5: {  	s17 =	simm.s32 $0x18900;
	s18 =	simm.s32 $0x1;
	s10 =	sand.u32 $0x1, s3  }
0x6: {  	s19 =	simm.s32 $0x80;
	s3 =	stileid.u32;
	s7 =	smul.u32 $0xC40, s10  }
0x7: {  	s20 =	simm.s32 $0x18A00;
	s28 =	simm.s32 $0x0;
	s8 =	smul.u32 $0xC4, s3  }
0x8: {  	[smem:$0x7FF] =	sst s4;
	s5 =	sadd.s32 $0xC6200, s6;
	s11 =	smul.u32 $0x31000, s3  }
0x9: {  	s12 =	sadd.s32 $0xF7000, s6;
	s13 =	sadd.s32 $0x128000, s6;
	s15 =	smul.u32 $0x30D400, s10  }
0xa: {  	_ =	strace $0x8000004A;
	s9 =	ssub.s32 $0x2, s10;
	s16 =	smul.u32 $0x18800, s10  }
0xb: {  	s24 =	sshll.u32 s3, $0x6;
	s30 =	smul.u32 $0x1880, s3;
	s21 =	sshrl.u32 s9, $0x1  }
0xc: {  	p0 =	seq.s32 s3, $0xF;
	s14 =	ssub.s32 s9, s21;
	s22 =	sadd.s32 s8, s7  }
0xd: {  	s23 =	sshrl.u32 s11, $0x1;
	s7 =	sor.u32 $0x1C05, s24;
	s11 =	sadd.s32 s11, s15  }
0xe: {  	s29 =	sshrl.u32 s15, $0x4;
	s31 =	sadd.s32 s16, s12;
	s15 =	simm.s32 $0x5  }
0xf: {  	s16 =	simm.s32 $0x18800;
	s21 =	simm.s32 $0x3;
	s24 =	simm.s32 $0x18880  }
0x10: {  	s25 =	sshll.u32 s22, $0x5;
	s6 =	sadd.s32 s23, s2;
	s26 =	sshrl.u32 s11, $0x4  }
0x11: {  	s11 =	sadd.s32 s13, s29;
	s22 =	simm.s32 $0x2;
	s23 =	simm.s32 $0x19A00  }
0x12: {  	s8 =	sadd.s32 s12, s25;
	s10 =	sadd.s32 s13, s26;
	s11 =	sadd.s32 $0x2DF00, s11  }
0x13: {  	s12 =	smax.u32 s14, $0x1;
	s13 =	sadd.s32 s30, s31;
	s14 =	sshrl.u32 s6, $0x3  }
0x14: {  	s25 =	simm.s32 $0x4;
	s26 =	simm.s32 $0x18980;
	s9 =	sadd.s32 $0x20, s8  }
.LBB2_1:
0x15: {  	[spmem:s14], [sflag:s7] =	dma.local [hbm:s1], $0x3100  }
0x16: {  	_ =	swait.ge [sflag:s15], $0x3100  }
0x17: {  	[sflag:s15] =	ssyncset.done $0x0  }
0x18: {  	[sflag:s15] =	ssyncadd.s32 $0xFFFFCF00  }
0x19: {  	[bflag:$0x0] =	sbarrier.arrive $0xFFFF  }
0x1a: {  	[tilespmem:s16], [sflag:$0x1] =	stream.linear.gather [hbm4b:s8+s4], $0x100, $0x38;
	[tilespmem:$0x1AA00] =	vst v63  }
0x1b: {  	_ = 	snop  }
0x1c: {  	[tilespmem:s17], [sflag:$0x2] =	stream.linear.gather [hbm4b:s9+s4], $0x100, $0x38;
	[tilespmem:$0x1AA00] =	vst v63  }
0x1d: {  	_ =	swait.ge [sflag:s18], $0x100  }
0x1e: {  	[sflag:s18] =	ssyncset.done $0x0  }
0x1f: {  	[sflag:s18] =	ssyncadd.s32 $0xFFFFFF00  }
0x20: {  	[tilespmem:s20], [sflag:$0x3] =	stream.indirect.gather [hbm4b:s5+s19], $0x20, s16, s19, $0xb8;
	[tilespmem:$0x1AA00] =	vst v63  }
0x21: {  	_ =	swait.ge [sflag:s21], $0x1000  }
0x22: {  	[sflag:s21] =	ssyncset.done $0x0  }
0x23: {  	[sflag:s21] =	ssyncadd.s32 $0xFFFFF000  }
0x24: {  	_ =	swait.ge [sflag:s22], $0x100  }
0x25: {  	[sflag:s22] =	ssyncset.done $0x0  }
0x26: {  	[sflag:s22] =	ssyncadd.s32 $0xFFFFFF00  }
0x27: {  	[tilespmem:s23], [sflag:$0x4] =	stream.indirect.gather [hbm4b:s5+s19], $0x20, s17, s19, $0xb8;
	[tilespmem:$0x1AA00] =	vst v63  }
0x28: {  	_ = 	snop  }
0x29: {  	[spmem:s2] =	stream.indirect.scatter.add.bf16 [tilespmem:s20], [sflag:$0x5], $0x20, s24, s19, $0xb8;
	[tilespmem:$0x1AA00] =	vst v63  }
0x2a: {  	_ =	swait.ge [sflag:s15], $0x1000  }
0x2b: {  	s30 =	sadd.s32 $0xFFFFE7C0, s13;
	[sflag:s15] =	ssyncset.done $0x0  }
0x2c: {  	s29 =	sadd.s32 $0x1880, s30;
	[sflag:s15] =	ssyncadd.s32 $0xFFFFF000  }
0x2d: {  	[tilespmem:s16], [sflag:$0x1] =	stream.linear.gather [hbm4b:s29+s4], $0x100, $0x38;
	[tilespmem:$0x1AA00] =	vst v63  }
0x2e: {  	_ =	swait.ge [sflag:s25], $0x1000  }
0x2f: {  	[sflag:s25] =	ssyncset.done $0x0  }
0x30: {  	[sflag:s25] =	ssyncadd.s32 $0xFFFFF000  }
0x31: {  	_ =	swait.ge [sflag:s18], $0x100  }
0x32: {  	[sflag:s18] =	ssyncset.done $0x0  }
0x33: {  	[sflag:s18] =	ssyncadd.s32 $0xFFFFFF00  }
0x34: {  	[tilespmem:s20], [sflag:$0x3] =	stream.indirect.gather [hbm4b:s5+s19], $0x20, s16, s19, $0xb8;
	[tilespmem:$0x1AA00] =	vst v63  }
0x35: {  	_ = 	snop  }
0x36: {  	[spmem:s2] =	stream.indirect.scatter.add.bf16 [tilespmem:s23], [sflag:$0x5], $0x20, s26, s19, $0xb8;
	[tilespmem:$0x1AA00] =	vst v63  }
0x37: {  	_ =	swait.ge [sflag:s15], $0x1000  }
0x38: {  	[sflag:s15] =	ssyncset.done $0x0  }
0x39: {  	s30 =	sadd.s32 $0x18A0, s30;
	s29 =	simm.s32 $0xFFFFE800;
	[sflag:s15] =	ssyncadd.s32 $0xFFFFF000  }
.LBB2_2:
0x3a: {  	[tilespmem:s17], [sflag:$0x2] =	stream.linear.gather [hbm4b:s30+s4], $0x100, $0x38;
	[tilespmem:$0x1AA00] =	vst v63  }
0x3b: {  	s30 =	smov.u32 s29  }
0x3c: {  	p1 =	sne.s32 s29, $0xFFFFFFC0;
	s29 =	sadd.s32 $0x40, s29;
	_ =	swait.ge [sflag:s21], $0x1000  }
0x3d: {  	[sflag:s21] =	ssyncset.done $0x0  }
0x3e: {  	[sflag:s21] =	ssyncadd.s32 $0xFFFFF000  }
0x3f: {  	_ =	swait.ge [sflag:s22], $0x100  }
0x40: {  	[sflag:s22] =	ssyncset.done $0x0  }
0x41: {  	[sflag:s22] =	ssyncadd.s32 $0xFFFFFF00  }
0x42: {  	[tilespmem:s23], [sflag:$0x4] =	stream.indirect.gather [hbm4b:s5+s19], $0x20, s17, s19, $0xb8;
	[tilespmem:$0x1AA00] =	vst v63  }
0x43: {  	_ = 	snop  }
0x44: {  	[spmem:s2] =	stream.indirect.scatter.add.bf16 [tilespmem:s20], [sflag:$0x5], $0x20, s24, s19, $0xb8;
	[tilespmem:$0x1AA00] =	vst v63  }
0x45: {  	_ =	swait.ge [sflag:s15], $0x1000  }
0x46: {  	s30 =	sadd.s32 s30, s13;
	[sflag:s15] =	ssyncset.done $0x0  }
0x47: {  	s31 =	sadd.s32 $0x1880, s30;
	[sflag:s15] =	ssyncadd.s32 $0xFFFFF000  }
0x48: {  	[tilespmem:s16], [sflag:$0x1] =	stream.linear.gather [hbm4b:s31+s4], $0x100, $0x38;
	[tilespmem:$0x1AA00] =	vst v63  }
0x49: {  	_ =	swait.ge [sflag:s25], $0x1000  }
0x4a: {  	[sflag:s25] =	ssyncset.done $0x0  }
0x4b: {  	[sflag:s25] =	ssyncadd.s32 $0xFFFFF000  }
0x4c: {  	_ =	swait.ge [sflag:s18], $0x100  }
0x4d: {  	[sflag:s18] =	ssyncset.done $0x0  }
0x4e: {  	[sflag:s18] =	ssyncadd.s32 $0xFFFFFF00  }
0x4f: {  	[tilespmem:s20], [sflag:$0x3] =	stream.indirect.gather [hbm4b:s5+s19], $0x20, s16, s19, $0xb8;
	[tilespmem:$0x1AA00] =	vst v63  }
.Ltmp0:
0x50: {  	(pc) =	sbr.rel @p1 .LBB2_2-.Ltmp0, $4  }
0x51: {  	[spmem:s2] =	stream.indirect.scatter.add.bf16 [tilespmem:s23], [sflag:$0x5], $0x20, s26, s19, $0xb8;
	[tilespmem:$0x1AA00] =	vst v63  }
0x52: {  	_ =	swait.ge [sflag:s15], $0x1000  }
0x53: {  	[sflag:s15] =	ssyncset.done $0x0  }
0x54: {  	s30 =	sadd.s32 $0x18A0, s30;
	[sflag:s15] =	ssyncadd.s32 $0xFFFFF000  }
0x55: {  	[tilespmem:s17], [sflag:$0x2] =	stream.linear.gather [hbm4b:s30+s4], $0x100, $0x38;
	[tilespmem:$0x1AA00] =	vst v63  }
0x56: {  	_ =	swait.ge [sflag:s21], $0x1000  }
0x57: {  	[sflag:s21] =	ssyncset.done $0x0  }
0x58: {  	[sflag:s21] =	ssyncadd.s32 $0xFFFFF000  }
0x59: {  	_ =	swait.ge [sflag:s22], $0x100  }
0x5a: {  	[sflag:s22] =	ssyncset.done $0x0  }
0x5b: {  	[sflag:s22] =	ssyncadd.s32 $0xFFFFFF00  }
0x5c: {  	[tilespmem:s23], [sflag:$0x4] =	stream.indirect.gather [hbm4b:s5+s19], $0x20, s17, s19, $0xb8;
	[tilespmem:$0x1AA00] =	vst v63  }
0x5d: {  	_ = 	snop  }
0x5e: {  	[spmem:s2] =	stream.indirect.scatter.add.bf16 [tilespmem:s20], [sflag:$0x5], $0x20, s24, s19, $0xb8;
	[tilespmem:$0x1AA00] =	vst v63  }
0x5f: {  	_ =	swait.ge [sflag:s15], $0x1000  }
0x60: {  	[sflag:s15] =	ssyncset.done $0x0  }
0x61: {  	[sflag:s15] =	ssyncadd.s32 $0xFFFFF000  }
0x62: {  	_ =	swait.ge [sflag:s25], $0x1000  }
0x63: {  	[sflag:s25] =	ssyncset.done $0x0  }
0x64: {  	[sflag:s25] =	ssyncadd.s32 $0xFFFFF000  }
0x65: {  	[spmem:s2] =	stream.indirect.scatter.add.bf16 [tilespmem:s23], [sflag:$0x5], $0x20, s26, s19, $0xb8;
	[tilespmem:$0x1AA00] =	vst v63  }
0x66: {  	_ =	swait.ge [sflag:s15], $0x1000  }
0x67: {  	[sflag:s15] =	ssyncset.done $0x0  }
0x68: {  	[sflag:s15] =	ssyncadd.s32 $0xFFFFF000  }
0x69: {  	s29 =	sshrl.u32 @p0 s6, $0x3;
	[bflag:$0x0] =	sbarrier.arrive $0xFFFF  }
0x6a: {  	[hbm:s11], [sflag:s7] =	dma.local @p0 [spmem:s29], $0x2E40  }
0x6b: {  	s29 =	simm.s32 @p0 $0x5  }
0x6c: {  	_ =	swait.ge @p0 [sflag:s29], $0x2E40  }
0x6d: {  	s28 =	sadd.s32 $0x1, s28;
	[sflag:s29] =	ssyncset.done @p0 $0x0  }
0x6e: {  	p1 =	sne.s32 s28, s12;
	[sflag:s29] =	ssyncadd.s32 @p0 $0xFFFFD1C0;
	s29 =	sshrl.u32 @!p0 s6, $0x3  }
0x6f: {  	[hbm:s10], [sflag:s7] =	dma.local @!p0 [spmem:s29], $0x3100  }
.Ltmp1:
0x70: {  	_ = 	snop;
	(pc) =	sbr.rel @p1 .LBB2_1-.Ltmp1, $4  }
0x71: {  	s29 =	simm.s32 @!p0 $0x5  }
0x72: {  	_ =	swait.ge @!p0 [sflag:s29], $0x3100  }
0x73: {  	[sflag:s29] =	ssyncset.done @!p0 $0x0  }
0x74: {  	[sflag:s29] =	ssyncadd.s32 @!p0 $0xFFFFCF00  }
0x75: {  	_ =	sfence.sel $0x180000  }
0x76: {  	[bflag:$0x0] =	sbarrier.arrive $0xFFFF  }
0x77: {  	p0 =	sne.s32 s3, $0x0;
	_ =	strace $0x9000004A  }
0x78: {  	s0 =	sadd.s32 @!p0 $0x100000, s0;
	[bflag:$0x2] =	sbarrier.arrive $0xFFFF  }
0x79: {  	[sflag:s0] =	ssyncadd.tile.s32 @!p0 $0x1;
	_ =	shalt  }
.Lfunc_end2:
_tile_overlayer_lowered:
.L_overlay_start_2:
0x7a: {  	(tag) =	ssettag $0x2  }
0x7b: {  	s0 =	rddreg [dreg:$0x0];
	s2 =	stileid.u32  }
0x7c: {  	s1 =	rddreg [dreg:$0x1];
	p0 =	sne.s32 s2, $0x0  }
0x7d: {  	s3 =	rddreg [dreg:$0x2];
	[bflag:$0x3] =	sbarrier.arrive $0xFFFF;
	s2 =	simm.s32 @!p0 $0x1C05  }
0x7e: {  	[timem:s3], [sflag:s2] =	dma.local @!p0 [hbm:s0], s1  }
0x7f: {  	s0 =	simm.s32 @!p0 $0x5  }
0x80: {  	_ =	swait.ge @!p0 [sflag:s0], s1  }
0x81: {  	s1 =	ssub.s32 @!p0 $0x0, s1;
	[sflag:s0] =	ssyncset.done @!p0 $0x0  }
0x82: {  	[sflag:s0] =	ssyncadd.s32 @!p0 s1  }
0x83: {  	[bflag:$0x3] =	sbarrier.arrive $0xFFFF  }
0x84: {  	_ =	shalt  }

// kernel: kernel.7.cloned.1.call-start
scs
__scs_entry_jumppad:
0x0: {  	(pc) =	sbr.rel $0x88, $3  }
0x1: {  	(tag) =	ssettag $0x0;
	lr =	simm.s32 $0x1  }
0x2: {  	[smem:$0x3F90] =	sst lr;
	_ =	strace $0xD0000000  }
0x3: {  	_ = 	snop  }
0x4: {  	_ = 	snop  }
0x5: {  	_ = 	snop  }
0x6: {  	_ = 	snop  }
0x7: {  	_ = 	snop  }
__scs_overlays_trampoline_lowered:
0x8: {  	[smem:$0x3F9F] =	sst s0  }
0x9: {  	[smem:$0x3FA0] =	sst s1  }
0xa: {  	[smem:$0x3FA1] =	sst s2  }
0xb: {  	[smem:$0x3FA2] =	sst s3  }
0xc: {  	[smem:$0x3FA3] =	sst s4  }
0xd: {  	[smem:$0x3FA4] =	sst s5  }
0xe: {  	[smem:$0x3FA5] =	sst s6  }
0xf: {  	[smem:$0x3FA6] =	sst s7  }
0x10: {  	[smem:$0x3FA7] =	sst s8  }
0x11: {  	[smem:$0x3FA8] =	sst s9;
	s0 =	simm.s32 @!p0 $0x0  }
0x12: {  	s1 =	sld [smem:$0x3F8E];
	s0 =	simm.s32 @p0 $0x1  }
0x13: {  	[smem:$0x3FA9] =	sst s0;
	s0 =	simm.s32 @!p1 $0x0  }
0x14: {  	s2 =	sld [smem:$0x3F8D];
	s0 =	simm.s32 @p1 $0x1  }
0x15: {  	[smem:$0x3FAA] =	sst s0;
	s0 =	simm.s32 @!p2 $0x0  }
0x16: {  	s3 =	sld [smem:$0x3FDB];
	s0 =	simm.s32 @p2 $0x1  }
0x17: {  	s4 =	simm.s32 $0x1BF5;
	[smem:$0x3FAC] =	sst s0  }
0x18: {  	s0 =	sld [smem:$0x3F8F];
	_ =	swait.ge [sflag:s4], $0x0  }
0x19: {  	s7 =	sld [smem:$0x3F90]  }
0x1a: {  	s8 =	sadd.s32 $0xFFFFE003, lr  }
0x1b: {  	s9 =	sadd.s32 $0xFFFFFEF7, lr;
	s5 =	simm.s32 $0xFFFFFFFF;
	p2 =	slt.u32 s8, $0xFFFFF086  }
0x1c: {  	p1 =	slt.u32 s9, $0xF7A;
	s5 =	simm.s32 @!p2 $0x0  }
0x1d: {  	s5 =	simm.s32 @p1 $0x1;
	p0 =	seq.s32 s7, s2  }
0x1e: {  	s7 =	smul.u32 @!p0 $0xF7A, s2;
	p2 =	seq.s32 @!p0 s5, $0x0  }
0x1f: {  	s9 =	smul.u32 $0xF7A, s1;
	s8 =	simm.s32 @!p0 $0x1BF5;
	p2 =	por !p2, p0  }
0x20: {  	[sflag:s8] =	ssyncset.s32 @!p0 $0xFFFFF086;
	s6 =	sadd.s32 @!p0 s3, s7;
	s7 =	simm.s32 @!p0 $0x108  }
0x21: {  	s3 =	sadd.s32 s3, s9;
	s6 =	sadd.s32 @!p0 $0x88, s6;
	s7 =	simm.s32 @p2 $0x1082  }
0x22: {  	[simem:s7], [sflag:s8] =	dma.local @!p0 [hbm:s6], $0xF7A  }
0x23: {  	s9 =	sor.u32 $0xD0000000, s2;
	s6 =	simm.s32 $0x108;
	_ =	swait.ge @!p0 [sflag:s8], $0x0  }
0x24: {  	s3 =	sadd.s32 $0x88, s3;
	s6 =	simm.s32 @!p1 $0x1082;
	[sflag:s4] =	ssyncset.s32 $0xFFFFF086  }
0x25: {  	[simem:s6], [sflag:s4] =	dma.local [hbm:s3], $0xF7A  }
0x26: {  	[smem:$0x3F90] =	sst s1;
	(tag) =	ssettag s2;
	_ =	strace s9  }
0x27: {  	s1 =	sld [smem:$0x3FA0]  }
0x28: {  	s2 =	sld [smem:$0x3FA1]  }
0x29: {  	s4 =	sld [smem:$0x3FA3]  }
0x2a: {  	p0 =	seq.s32 s5, $0x0;
	s5 =	sld [smem:$0x3FA4]  }
0x2b: {  	s6 =	sld [smem:$0x3FA5]  }
0x2c: {  	s7 =	sld [smem:$0x3FA6]  }
0x2d: {  	s3 =	simm.s32 $0x108;
	s8 =	sld [smem:$0x3FA7]  }
0x2e: {  	s3 =	simm.s32 @!p0 $0x1082;
	s9 =	sld [smem:$0x3FA8]  }
0x2f: {  	lr =	sadd.s32 s0, s3;
	s0 =	sld [smem:$0x3F9F]  }
0x30: {  	s3 =	sld [smem:$0x3FA2]  }
0x31: {  	[smem:$0x3FAB] =	sst s10  }
0x32: {  	s10 =	sld [smem:$0x3FA9];
	_ =	sdelay $0x3  }
0x33: {  	p0 =	seq.s32 s10, $0x1;
	s10 =	sld [smem:$0x3FAB];
	_ =	sdelay $0x3  }
0x34: {  	[smem:$0x3FAB] =	sst s10  }
0x35: {  	s10 =	sld [smem:$0x3FAA];
	_ =	sdelay $0x3  }
0x36: {  	p1 =	seq.s32 s10, $0x1;
	s10 =	sld [smem:$0x3FAB];
	_ =	sdelay $0x3  }
0x37: {  	[smem:$0x3FAB] =	sst s10  }
0x38: {  	s10 =	sld [smem:$0x3FAC]  }
0x39: {  	_ = 	snop;
	(pc) =	sbr.ind lr, $3  }
0x3a: {  	_ = 	snop  }
0x3b: {  	_ = 	snop  }
0x3c: {  	p2 =	seq.s32 s10, $0x1;
	s10 =	sld [smem:$0x3FAB]  }
0x3d: {  	_ =	shalt  }
0x3e: {  	_ =	shalt  }
0x3f: {  	_ =	shalt  }
0x40: {  	_ =	shalt  }
0x41: {  	_ =	shalt  }
0x42: {  	_ =	shalt  }
0x43: {  	_ =	shalt  }
0x44: {  	_ =	shalt  }
0x45: {  	_ =	shalt  }
0x46: {  	_ =	shalt  }
0x47: {  	_ =	shalt  }
0x48: {  	_ =	shalt  }
0x49: {  	_ =	shalt  }
0x4a: {  	_ =	shalt  }
0x4b: {  	_ =	shalt  }
0x4c: {  	_ =	shalt  }
0x4d: {  	_ =	shalt  }
0x4e: {  	_ =	shalt  }
0x4f: {  	_ =	shalt  }
0x50: {  	_ =	shalt  }
0x51: {  	_ =	shalt  }
0x52: {  	_ =	shalt  }
0x53: {  	_ =	shalt  }
0x54: {  	_ =	shalt  }
0x55: {  	_ =	shalt  }
0x56: {  	_ =	shalt  }
0x57: {  	_ =	shalt  }
0x58: {  	_ =	shalt  }
0x59: {  	_ =	shalt  }
0x5a: {  	_ =	shalt  }
0x5b: {  	_ =	shalt  }
0x5c: {  	_ =	shalt  }
0x5d: {  	_ =	shalt  }
0x5e: {  	_ =	shalt  }
0x5f: {  	_ =	shalt  }
0x60: {  	_ =	shalt  }
0x61: {  	_ =	shalt  }
0x62: {  	_ =	shalt  }
0x63: {  	_ =	shalt  }
0x64: {  	_ =	shalt  }
0x65: {  	_ =	shalt  }
0x66: {  	_ =	shalt  }
0x67: {  	_ =	shalt  }
0x68: {  	_ =	shalt  }
0x69: {  	_ =	shalt  }
0x6a: {  	_ =	shalt  }
0x6b: {  	_ =	shalt  }
0x6c: {  	_ =	shalt  }
0x6d: {  	_ =	shalt  }
0x6e: {  	_ =	shalt  }
0x6f: {  	_ =	shalt  }
0x70: {  	_ =	shalt  }
0x71: {  	_ =	shalt  }
0x72: {  	_ =	shalt  }
0x73: {  	_ =	shalt  }
0x74: {  	_ =	shalt  }
0x75: {  	_ =	shalt  }
0x76: {  	_ =	shalt  }
0x77: {  	_ =	shalt  }
0x78: {  	_ =	shalt  }
0x79: {  	_ =	shalt  }
0x7a: {  	_ =	shalt  }
0x7b: {  	_ =	shalt  }
0x7c: {  	_ =	shalt  }
0x7d: {  	_ =	shalt  }
0x7e: {  	_ =	shalt  }
0x7f: {  	_ =	shalt  }
0x80: {  	_ =	shalt  }
0x81: {  	_ =	shalt  }
0x82: {  	_ =	shalt  }
0x83: {  	_ =	shalt  }
0x84: {  	_ =	shalt  }
0x85: {  	_ =	shalt  }
0x86: {  	_ =	shalt  }
0x87: {  	_ =	shalt  }
.Lfunc_end0:
.L_simem_size_0:
called_computation_lowered:
.L_overlay_start_0:
0x88: {  	s2 =	sld [smem:$0x3FD9]  }
0x89: {  	s3 =	sld [smem:$0x3FFE];
	_ =	sdelay $0x1  }
0x8a: {  	s1 =	srdreg.scid  }
0x8b: {  	s0 =	sand.u32 $0x1, s1  }
0x8c: {  	s14 =	sshll.u32 s0, $0xA;
	s2 =	sadd.s32 s3, s2  }
0x8d: {  	s2 =	sadd.s32 s2, s14  }
0x8e: {  	[smem:$0x3FB7] =	sst s2  }
0x8f: {  	_ = 	snop  }
0x90: {  	s2 =	sld [smem:$0x3FD0];
	_ =	sdelay $0x2  }
0x91: {  	s15 =	simm.s32 $0xA;
	s4 =	simm.s32 $0x10  }
0x92: {  	[smem:s4], [sflag:s15] =	dma.local [hbm:s2], $0x1  }
0x93: {  	_ =	swait.eq [sflag:s15], $0x1  }
0x94: {  	[sflag:s15] =	ssyncset.done $0x0  }
0x95: {  	[sflag:s15] =	ssyncadd.s32 $0xFFFFFFFF  }
0x96: {  	s16 =	sld [smem:$0x10];
	(tm) =	ssettm $0x1  }
0x97: {  	s17 =	sld [smem:$0x3FFB];
	_ =	sdelay $0x3  }
0x98: {  	_ =	strace s17  }
0x99: {  	s3 =	sld [smem:$0x3FFC];
	_ =	sdelay $0x3  }
0x9a: {  	_ =	strace s3  }
0x9b: {  	s3 =	sld [smem:$0x3FFD];
	_ =	sdelay $0x3  }
0x9c: {  	_ =	strace s3  }
0x9d: {  	_ =	strace $0x8FFFFFFF  }
0x9e: {  	s18 =	sld [smem:$0x3FDB];
	_ =	sdelay $0x1  }
0x9f: {  	s19 =	simm.s32 $_scs_section_size  }
0xa0: {  	s5 =	simm.s32 $_size__tile_overlayer_lowered;
	s6 =	simm.s32 $_tile_overlayer_lowered  }
0xa1: {  	s22 =	simm.s32 $0x1BFF;
	s21 =	sshll.u32 s6, $0x1;
	s3 =	sadd.s32 s19, s18  }
0xa2: {  	s7 =	simm.s32 $0x0;
	s20 =	sshll.u32 s5, $0x1;
	s5 =	sadd.s32 s21, s3  }
0xa3: {  	[timem:s7], [sflag:s22] =	dma.local [hbm:s5], s20  }
0xa4: {  	_ =	swait.ge [sflag:s22], s20  }
0xa5: {  	s4 =	ssub.s32 $0x0, s20;
	[sflag:s22] =	ssyncset.done $0x0  }
0xa6: {  	[sflag:s22] =	ssyncadd.s32 s4;
	_ =	sdelay $0x1  }
0xa7: {  	s23 =	simm.s32 $0x1B8B  }
0xa8: {  	_ =	swait.ge [sflag:s23], $0x1  }
0xa9: {  	[sflag:s23] =	ssyncset.done $0x0  }
0xaa: {  	s25 =	simm.s32 $0x1B8E;
	s24 =	sld [smem:$0x3FFE];
	[sflag:s23] =	ssyncadd.s32 $0xFFFFFFFF  }
0xab: {  	s26 =	simm.s32 $execute0_lowered;
	[smem:$0x3FD2] =	sst s25  }
0xac: {  	s5 =	sshll.u32 s26, $0x1;
	_ =	strace $0x80000046;
	[dreg:$0x1] =	wrdreg $0xFFFFFFFF  }
0xad: {  	s28 =	simm.s32 $_size_execute0_lowered;
	s3 =	sadd.s32 s3, s5;
	[dreg:$0x0] =	wrdreg $0x0  }
0xae: {  	s5 =	sshll.u32 s28, $0x1;
	[dreg:$0x2] =	wrdreg s3  }
0xaf: {  	[dreg:$0x3] =	wrdreg s5  }
0xb0: {  	[dreg:$0x4] =	wrdreg $0xC0  }
0xb1: {  	_ =	task [dreg:s7], $0x5FFFF  }
0xb2: {  	[dreg:$0x1] =	wrdreg $0xFFFFFFFF  }
0xb3: {  	[dreg:$0x0] =	wrdreg $0x60  }
0xb4: {  	[dreg:$0x2] =	wrdreg s24  }
0xb5: {  	[dreg:$0x3] =	wrdreg s16  }
0xb6: {  	[dreg:$0x4] =	wrdreg $0x0  }
0xb7: {  	[dreg:$0x5] =	wrdreg $0x9  }
0xb8: {  	_ =	task.clear_ibuf [dreg:s7], $0x6FFFF;
	_ =	strace $0x90000046  }
0xb9: {  	s29 =	simm.s32 $0x9;
	_ =	strace $0x80000048  }
0xba: {  	_ =	swait.ge [sflag:s29], $0x1  }
0xbb: {  	[sflag:s29] =	ssyncadd.s32 $0xFFFFFFFF  }
0xbc: {  	_ =	strace $0x90000048  }
0xbd: {  	_ =	sfence  }
0xbe: {  	s30 =	sld [smem:$0x0];
	_ =	sdelay $0x2  }
0xbf: {  	s31 =	sshll.u32 s1, $0xD;
	s1 =	sshrl.u32 s1, $0x2  }
0xc0: {  	s3 =	sand.u32 $0x4000, s31;
	s1 =	sadd.s32 s1, s30  }
0xc1: {  	s0 =	sor.u32 s3, s0;
	s1 =	sshll.u32 s1, $0x11  }
0xc2: {  	s0 =	sor.u32 s1, s0  }
0xc3: {  	s0 =	sadd.s32 $0x8F2B, s0  }
0xc4: {  	[sflag:s0] =	ssyncadd.remote.s32 $0x1  }
0xc5: {  	_ =	sfence.sel $0xFFFF  }
0xc6: {  	[dreg:$0x0] =	wrdreg $0xFFFFFFFF;
	(pc) =	sbr.abs _section_cstart, $3  }
0xc7: {  	[dreg:$0x1] =	wrdreg $0xFFFFFFFF  }
0xc8: {  	_ =	task.clear_ibuf [dreg:s7], $0x2FFFF;
	_ =	strace $0x9FFFFFFF  }
0xc9: {  	(tm) =	ssettm $0x7FFFFFFF  }
tec
execute0_lowered:
.L_overlay_start_1:
0x0: {  	(tag) =	ssettag $0x1  }
0x1: {  	s6 =	rddreg [dreg:$0x0]  }
0x2: {  	s1 =	rddreg [dreg:$0x1]  }
0x3: {  	s2 =	rddreg [dreg:$0x2]  }
0x4: {  	s0 =	rddreg [dreg:$0x3];
	s4 =	simm.s32 $0x0;
	s3 =	srdreg.scid  }
0x5: {  	s17 =	simm.s32 $0x18900;
	s18 =	simm.s32 $0x1;
	s10 =	sand.u32 $0x1, s3  }
0x6: {  	s19 =	simm.s32 $0x80;
	s3 =	stileid.u32;
	s7 =	smul.u32 $0xC40, s10  }
0x7: {  	s20 =	simm.s32 $0x18A00;
	[smem:$0x7FF] =	sst s4;
	s8 =	smul.u32 $0xC4, s3  }
0x8: {  	s5 =	sadd.s32 $0xC6200, s6;
	s12 =	sadd.s32 $0xF7000, s6;
	s11 =	smul.u32 $0x31000, s3  }
0x9: {  	s28 =	simm.s32 $0x0;
	s13 =	sadd.s32 $0x24CE00, s6;
	s15 =	smul.u32 $0x30D400, s10  }
0xa: {  	_ =	strace $0x80000047;
	s9 =	ssub.s32 $0x2, s10;
	s16 =	smul.u32 $0x18800, s10  }
0xb: {  	s24 =	sshll.u32 s3, $0x6;
	s30 =	smul.u32 $0x1880, s3;
	s21 =	sshrl.u32 s9, $0x1  }
0xc: {  	p0 =	seq.s32 s3, $0xF;
	s14 =	ssub.s32 s9, s21;
	s22 =	sadd.s32 s8, s7  }
0xd: {  	s23 =	sshrl.u32 s11, $0x1;
	s7 =	sor.u32 $0x1C05, s24;
	s11 =	sadd.s32 s11, s15  }
0xe: {  	s29 =	sshrl.u32 s15, $0x4;
	s31 =	sadd.s32 s16, s12;
	s15 =	simm.s32 $0x5  }
0xf: {  	s16 =	simm.s32 $0x18800;
	s21 =	simm.s32 $0x3;
	s24 =	simm.s32 $0x18880  }
0x10: {  	s25 =	sshll.u32 s22, $0x5;
	s6 =	sadd.s32 s23, s2;
	s26 =	sshrl.u32 s11, $0x4  }
0x11: {  	s11 =	sadd.s32 s13, s29;
	s22 =	simm.s32 $0x2;
	s23 =	simm.s32 $0x19A00  }
0x12: {  	s8 =	sadd.s32 s12, s25;
	s10 =	sadd.s32 s13, s26;
	s11 =	sadd.s32 $0x2DF00, s11  }
0x13: {  	s12 =	smax.u32 s14, $0x1;
	s13 =	sadd.s32 s30, s31;
	s14 =	sshrl.u32 s6, $0x3  }
0x14: {  	s25 =	simm.s32 $0x4;
	s26 =	simm.s32 $0x18980;
	s9 =	sadd.s32 $0x20, s8  }
.LBB2_1:
0x15: {  	[spmem:s14], [sflag:s7] =	dma.local [hbm:s1], $0x3100  }
0x16: {  	_ =	swait.ge [sflag:s15], $0x3100  }
0x17: {  	[sflag:s15] =	ssyncset.done $0x0  }
0x18: {  	[sflag:s15] =	ssyncadd.s32 $0xFFFFCF00  }
0x19: {  	[bflag:$0x0] =	sbarrier.arrive $0xFFFF  }
0x1a: {  	[tilespmem:s16], [sflag:$0x1] =	stream.linear.gather [hbm4b:s8+s4], $0x100, $0x38;
	[tilespmem:$0x1AA00] =	vst v63  }
0x1b: {  	_ = 	snop  }
0x1c: {  	[tilespmem:s17], [sflag:$0x2] =	stream.linear.gather [hbm4b:s9+s4], $0x100, $0x38;
	[tilespmem:$0x1AA00] =	vst v63  }
0x1d: {  	_ =	swait.ge [sflag:s18], $0x100  }
0x1e: {  	[sflag:s18] =	ssyncset.done $0x0  }
0x1f: {  	[sflag:s18] =	ssyncadd.s32 $0xFFFFFF00  }
0x20: {  	[tilespmem:s20], [sflag:$0x3] =	stream.indirect.gather [hbm4b:s5+s19], $0x20, s16, s19, $0xb8;
	[tilespmem:$0x1AA00] =	vst v63  }
0x21: {  	_ =	swait.ge [sflag:s21], $0x1000  }
0x22: {  	[sflag:s21] =	ssyncset.done $0x0  }
0x23: {  	[sflag:s21] =	ssyncadd.s32 $0xFFFFF000  }
0x24: {  	_ =	swait.ge [sflag:s22], $0x100  }
0x25: {  	[sflag:s22] =	ssyncset.done $0x0  }
0x26: {  	[sflag:s22] =	ssyncadd.s32 $0xFFFFFF00  }
0x27: {  	[tilespmem:s23], [sflag:$0x4] =	stream.indirect.gather [hbm4b:s5+s19], $0x20, s17, s19, $0xb8;
	[tilespmem:$0x1AA00] =	vst v63  }
0x28: {  	_ = 	snop  }
0x29: {  	[spmem:s2] =	stream.indirect.scatter.add.bf16 [tilespmem:s20], [sflag:$0x5], $0x20, s24, s19, $0xb8;
	[tilespmem:$0x1AA00] =	vst v63  }
0x2a: {  	_ =	swait.ge [sflag:s15], $0x1000  }
0x2b: {  	s30 =	sadd.s32 $0xFFFFE7C0, s13;
	[sflag:s15] =	ssyncset.done $0x0  }
0x2c: {  	s29 =	sadd.s32 $0x1880, s30;
	[sflag:s15] =	ssyncadd.s32 $0xFFFFF000  }
0x2d: {  	[tilespmem:s16], [sflag:$0x1] =	stream.linear.gather [hbm4b:s29+s4], $0x100, $0x38;
	[tilespmem:$0x1AA00] =	vst v63  }
0x2e: {  	_ =	swait.ge [sflag:s25], $0x1000  }
0x2f: {  	[sflag:s25] =	ssyncset.done $0x0  }
0x30: {  	[sflag:s25] =	ssyncadd.s32 $0xFFFFF000  }
0x31: {  	_ =	swait.ge [sflag:s18], $0x100  }
0x32: {  	[sflag:s18] =	ssyncset.done $0x0  }
0x33: {  	[sflag:s18] =	ssyncadd.s32 $0xFFFFFF00  }
0x34: {  	[tilespmem:s20], [sflag:$0x3] =	stream.indirect.gather [hbm4b:s5+s19], $0x20, s16, s19, $0xb8;
	[tilespmem:$0x1AA00] =	vst v63  }
0x35: {  	_ = 	snop  }
0x36: {  	[spmem:s2] =	stream.indirect.scatter.add.bf16 [tilespmem:s23], [sflag:$0x5], $0x20, s26, s19, $0xb8;
	[tilespmem:$0x1AA00] =	vst v63  }
0x37: {  	_ =	swait.ge [sflag:s15], $0x1000  }
0x38: {  	[sflag:s15] =	ssyncset.done $0x0  }
0x39: {  	s30 =	sadd.s32 $0x18A0, s30;
	s29 =	simm.s32 $0xFFFFE800;
	[sflag:s15] =	ssyncadd.s32 $0xFFFFF000  }
.LBB2_2:
0x3a: {  	[tilespmem:s17], [sflag:$0x2] =	stream.linear.gather [hbm4b:s30+s4], $0x100, $0x38;
	[tilespmem:$0x1AA00] =	vst v63  }
0x3b: {  	s30 =	smov.u32 s29  }
0x3c: {  	p1 =	sne.s32 s29, $0xFFFFFFC0;
	s29 =	sadd.s32 $0x40, s29;
	_ =	swait.ge [sflag:s21], $0x1000  }
0x3d: {  	[sflag:s21] =	ssyncset.done $0x0  }
0x3e: {  	[sflag:s21] =	ssyncadd.s32 $0xFFFFF000  }
0x3f: {  	_ =	swait.ge [sflag:s22], $0x100  }
0x40: {  	[sflag:s22] =	ssyncset.done $0x0  }
0x41: {  	[sflag:s22] =	ssyncadd.s32 $0xFFFFFF00  }
0x42: {  	[tilespmem:s23], [sflag:$0x4] =	stream.indirect.gather [hbm4b:s5+s19], $0x20, s17, s19, $0xb8;
	[tilespmem:$0x1AA00] =	vst v63  }
0x43: {  	_ = 	snop  }
0x44: {  	[spmem:s2] =	stream.indirect.scatter.add.bf16 [tilespmem:s20], [sflag:$0x5], $0x20, s24, s19, $0xb8;
	[tilespmem:$0x1AA00] =	vst v63  }
0x45: {  	_ =	swait.ge [sflag:s15], $0x1000  }
0x46: {  	s30 =	sadd.s32 s30, s13;
	[sflag:s15] =	ssyncset.done $0x0  }
0x47: {  	s31 =	sadd.s32 $0x1880, s30;
	[sflag:s15] =	ssyncadd.s32 $0xFFFFF000  }
0x48: {  	[tilespmem:s16], [sflag:$0x1] =	stream.linear.gather [hbm4b:s31+s4], $0x100, $0x38;
	[tilespmem:$0x1AA00] =	vst v63  }
0x49: {  	_ =	swait.ge [sflag:s25], $0x1000  }
0x4a: {  	[sflag:s25] =	ssyncset.done $0x0  }
0x4b: {  	[sflag:s25] =	ssyncadd.s32 $0xFFFFF000  }
0x4c: {  	_ =	swait.ge [sflag:s18], $0x100  }
0x4d: {  	[sflag:s18] =	ssyncset.done $0x0  }
0x4e: {  	[sflag:s18] =	ssyncadd.s32 $0xFFFFFF00  }
0x4f: {  	[tilespmem:s20], [sflag:$0x3] =	stream.indirect.gather [hbm4b:s5+s19], $0x20, s16, s19, $0xb8;
	[tilespmem:$0x1AA00] =	vst v63  }
.Ltmp0:
0x50: {  	(pc) =	sbr.rel @p1 .LBB2_2-.Ltmp0, $4  }
0x51: {  	[spmem:s2] =	stream.indirect.scatter.add.bf16 [tilespmem:s23], [sflag:$0x5], $0x20, s26, s19, $0xb8;
	[tilespmem:$0x1AA00] =	vst v63  }
0x52: {  	_ =	swait.ge [sflag:s15], $0x1000  }
0x53: {  	[sflag:s15] =	ssyncset.done $0x0  }
0x54: {  	s30 =	sadd.s32 $0x18A0, s30;
	[sflag:s15] =	ssyncadd.s32 $0xFFFFF000  }
0x55: {  	[tilespmem:s17], [sflag:$0x2] =	stream.linear.gather [hbm4b:s30+s4], $0x100, $0x38;
	[tilespmem:$0x1AA00] =	vst v63  }
0x56: {  	_ =	swait.ge [sflag:s21], $0x1000  }
0x57: {  	[sflag:s21] =	ssyncset.done $0x0  }
0x58: {  	[sflag:s21] =	ssyncadd.s32 $0xFFFFF000  }
0x59: {  	_ =	swait.ge [sflag:s22], $0x100  }
0x5a: {  	[sflag:s22] =	ssyncset.done $0x0  }
0x5b: {  	[sflag:s22] =	ssyncadd.s32 $0xFFFFFF00  }
0x5c: {  	[tilespmem:s23], [sflag:$0x4] =	stream.indirect.gather [hbm4b:s5+s19], $0x20, s17, s19, $0xb8;
	[tilespmem:$0x1AA00] =	vst v63  }
0x5d: {  	_ = 	snop  }
0x5e: {  	[spmem:s2] =	stream.indirect.scatter.add.bf16 [tilespmem:s20], [sflag:$0x5], $0x20, s24, s19, $0xb8;
	[tilespmem:$0x1AA00] =	vst v63  }
0x5f: {  	_ =	swait.ge [sflag:s15], $0x1000  }
0x60: {  	[sflag:s15] =	ssyncset.done $0x0  }
0x61: {  	[sflag:s15] =	ssyncadd.s32 $0xFFFFF000  }
0x62: {  	_ =	swait.ge [sflag:s25], $0x1000  }
0x63: {  	[sflag:s25] =	ssyncset.done $0x0  }
0x64: {  	[sflag:s25] =	ssyncadd.s32 $0xFFFFF000  }
0x65: {  	[spmem:s2] =	stream.indirect.scatter.add.bf16 [tilespmem:s23], [sflag:$0x5], $0x20, s26, s19, $0xb8;
	[tilespmem:$0x1AA00] =	vst v63  }
0x66: {  	_ =	swait.ge [sflag:s15], $0x1000  }
0x67: {  	[sflag:s15] =	ssyncset.done $0x0  }
0x68: {  	[sflag:s15] =	ssyncadd.s32 $0xFFFFF000  }
0x69: {  	s29 =	sshrl.u32 @p0 s6, $0x3;
	[bflag:$0x0] =	sbarrier.arrive $0xFFFF  }
0x6a: {  	[hbm:s11], [sflag:s7] =	dma.local @p0 [spmem:s29], $0x2E40  }
0x6b: {  	s29 =	simm.s32 @p0 $0x5  }
0x6c: {  	_ =	swait.ge @p0 [sflag:s29], $0x2E40  }
0x6d: {  	s28 =	sadd.s32 $0x1, s28;
	[sflag:s29] =	ssyncset.done @p0 $0x0  }
0x6e: {  	p1 =	sne.s32 s28, s12;
	[sflag:s29] =	ssyncadd.s32 @p0 $0xFFFFD1C0;
	s29 =	sshrl.u32 @!p0 s6, $0x3  }
0x6f: {  	[hbm:s10], [sflag:s7] =	dma.local @!p0 [spmem:s29], $0x3100  }
.Ltmp1:
0x70: {  	_ = 	snop;
	(pc) =	sbr.rel @p1 .LBB2_1-.Ltmp1, $4  }
0x71: {  	s29 =	simm.s32 @!p0 $0x5  }
0x72: {  	_ =	swait.ge @!p0 [sflag:s29], $0x3100  }
0x73: {  	[sflag:s29] =	ssyncset.done @!p0 $0x0  }
0x74: {  	[sflag:s29] =	ssyncadd.s32 @!p0 $0xFFFFCF00  }
0x75: {  	_ =	sfence.sel $0x180000  }
0x76: {  	[bflag:$0x0] =	sbarrier.arrive $0xFFFF  }
0x77: {  	p0 =	sne.s32 s3, $0x0;
	_ =	strace $0x90000047  }
0x78: {  	s0 =	sadd.s32 @!p0 $0x100000, s0;
	[bflag:$0x2] =	sbarrier.arrive $0xFFFF  }
0x79: {  	[sflag:s0] =	ssyncadd.tile.s32 @!p0 $0x1;
	_ =	shalt  }
.Lfunc_end2:
_tile_overlayer_lowered:
.L_overlay_start_2:
0x7a: {  	(tag) =	ssettag $0x2  }
0x7b: {  	s0 =	rddreg [dreg:$0x0];
	s2 =	stileid.u32  }
0x7c: {  	s1 =	rddreg [dreg:$0x1];
	p0 =	sne.s32 s2, $0x0  }
0x7d: {  	s3 =	rddreg [dreg:$0x2];
	[bflag:$0x3] =	sbarrier.arrive $0xFFFF;
	s2 =	simm.s32 @!p0 $0x1C05  }
0x7e: {  	[timem:s3], [sflag:s2] =	dma.local @!p0 [hbm:s0], s1  }
0x7f: {  	s0 =	simm.s32 @!p0 $0x5  }
0x80: {  	_ =	swait.ge @!p0 [sflag:s0], s1  }
0x81: {  	s1 =	ssub.s32 @!p0 $0x0, s1;
	[sflag:s0] =	ssyncset.done @!p0 $0x0  }
0x82: {  	[sflag:s0] =	ssyncadd.s32 @!p0 s1  }
0x83: {  	[bflag:$0x3] =	sbarrier.arrive $0xFFFF  }
0x84: {  	_ =	shalt  }

</sc_bundles>
